<compile_context>
chip_gen: v7x
topology: tpu7x:2x2x1
jax: 0.10.2.dev20260603
libtpu: 0.0.44.dev20260713+nightly
codegen_flags: <defaults>
</compile_context>

<pallas_src>
import functools

import jax
import jax.numpy as jnp
from jax import lax
from jax.experimental import pallas as pl
from jax.experimental.pallas import tpu as pltpu
from jax.experimental.pallas import tpu_sc as plsc

LN2 = 0.6931471805599453
CHUNK = 5120
GATHER = 512
LANES = 16
STAGE_TILES = 8
STAGE_PIECES = 5


@functools.lru_cache(maxsize=None)
def _build(n_total: int, n_rows: int, nc: int, ns: int):
    nw = nc * ns
    per_w = n_total // nw
    assert per_w * nw == n_total and per_w % CHUNK == 0
    n_chunks = per_w // CHUNK
    assert n_chunks % 2 == 0 and n_chunks >= 4
    stage = n_rows // STAGE_TILES
    piece = stage // STAGE_PIECES
    assert stage * STAGE_TILES == n_rows and piece * STAGE_PIECES == stage
    assert piece % 8 == 0 and CHUNK % GATHER == 0 and CHUNK % LANES == 0
    mesh = plsc.VectorSubcoreMesh(
        core_axis_name="c", subcore_axis_name="s", num_cores=nc, num_subcores=ns
    )

    def body(table_hbm, xf_hbm, nidx_hbm, out_hbm,
             idx0, idx1, vals0, vals1, nidx_v, nval_v, table_sh, stage_v,
             gsem0, gsem1, isem0, isem1, osem0, osem1):
        idx = (idx0, idx1)
        vals = (vals0, vals1)
        gsem = (gsem0, gsem1)
        isem = (isem0, isem1)
        osem = (osem0, osem1)
        wid = lax.axis_index("s") * nc + lax.axis_index("c")
        sid = lax.axis_index("s")
        base0 = wid * per_w

        @pl.when(sid < STAGE_TILES)
        def _():
            def stage_body(p, c):
                off = sid * stage + p * piece
                pltpu.sync_copy(table_hbm.at[pl.ds(off, piece)], stage_v)
                pltpu.sync_copy(stage_v, table_sh.at[pl.ds(off, piece)])
                return c

            lax.fori_loop(0, STAGE_PIECES, stage_body, 0)

        pltpu.sync_copy(nidx_hbm, nidx_v)
        pltpu.async_copy(table_hbm.at[nidx_v], nval_v, gsem0).wait()
        plsc.subcore_barrier()

        def fire_gathers(idx_b, vals_b, sem):
            def fg(j, c):
                pltpu.async_copy(
                    table_sh.at[idx_b.at[pl.ds(j * GATHER, GATHER)]],
                    vals_b.at[pl.ds(j * GATHER, GATHER)],
                    sem,
                )
                return c

            lax.fori_loop(0, CHUNK // GATHER, fg, 0)

        def drain(src, dst, sem):
            pltpu.make_async_copy(src, dst, sem).wait()

        def compute(vals_b):
            nval = nval_v[...]

            def vec_body(i, c):
                v = vals_b[pl.ds(i * LANES, LANES)]
                vals_b[pl.ds(i * LANES, LANES)] = jnp.exp((v - nval) * LN2)
                return c

            lax.fori_loop(0, CHUNK // LANES, vec_body, 0, unroll=8)

        hbm_f32 = out_hbm.at[pl.ds(0, CHUNK)]

        def step(g, b):
            ob = 1 - b

            @pl.when(g + 1 < n_chunks)
            def _():
                drain(xf_hbm.at[pl.ds(0, CHUNK)], idx[ob], isem[ob])

                @pl.when(g >= 1)
                def _():
                    drain(vals[ob], hbm_f32, osem[ob])

                fire_gathers(idx[ob], vals[ob], gsem[ob])

            drain(hbm_f32, vals[b], gsem[b])

            @pl.when(g + 2 < n_chunks)
            def _():
                pltpu.async_copy(
                    xf_hbm.at[pl.ds(base0 + (g + 2) * CHUNK, CHUNK)],
                    idx[b], isem[b],
                )

            compute(vals[b])
            pltpu.async_copy(
                vals[b], out_hbm.at[pl.ds(base0 + g * CHUNK, CHUNK)], osem[b]
            )

        pltpu.async_copy(xf_hbm.at[pl.ds(base0, CHUNK)], idx0, isem0)
        pltpu.async_copy(xf_hbm.at[pl.ds(base0 + CHUNK, CHUNK)], idx1, isem1)
        drain(xf_hbm.at[pl.ds(0, CHUNK)], idx0, isem0)
        fire_gathers(idx0, vals0, gsem0)

        def pair(k, c):
            step(2 * k, 0)
            step(2 * k + 1, 1)
            return c

        lax.fori_loop(0, n_chunks // 2, pair, 0)

        drain(vals0, hbm_f32, osem0)
        drain(vals1, hbm_f32, osem1)

    return pl.kernel(
        body,
        out_type=jax.ShapeDtypeStruct((n_total,), jnp.float32),
        mesh=mesh,
        scratch_types=[
            pltpu.VMEM((CHUNK,), jnp.int32),
            pltpu.VMEM((CHUNK,), jnp.int32),
            pltpu.VMEM((CHUNK,), jnp.float32),
            pltpu.VMEM((CHUNK,), jnp.float32),
            pltpu.VMEM((LANES,), jnp.int32),
            pltpu.VMEM((LANES,), jnp.float32),
            pltpu.VMEM_SHARED((n_rows,), jnp.float32),
            pltpu.VMEM((n_rows // (STAGE_TILES * STAGE_PIECES),), jnp.float32),
            pltpu.SemaphoreType.DMA,
            pltpu.SemaphoreType.DMA,
            pltpu.SemaphoreType.DMA,
            pltpu.SemaphoreType.DMA,
            pltpu.SemaphoreType.DMA,
            pltpu.SemaphoreType.DMA,
        ],
    )


def kernel(x, neutral_idx, table_w):
    b, h = x.shape
    n_total = b * h
    info = plsc.get_sparse_core_info()
    table = table_w.reshape(-1)
    xf = x.reshape(-1)
    nidx = jnp.full((LANES,), neutral_idx, dtype=jnp.int32)
    out = _build(n_total, table.shape[0], info.num_cores, info.num_subcores)(
        table, xf, nidx
    )
    return out.reshape(b, h, 1)

# --- scband reference (transcript-rebuilt; emitter-appended) ---
"""Pipeline reference for scband-gain-table-43370579755574 (READ-ONLY COPY).

The authoritative reference and input builder live on the scoring server;
editing this copy changes nothing except your own understanding.
"""

import jax, jax.numpy as jnp
import numpy as np

NUM_IMAGES = 1000000
BATCH = 16384
HIST = 200


def setup_inputs(seed: int = 0) -> dict:
    key = jax.random.key(seed)
    x = jax.random.randint(jax.random.fold_in(key, 1), (BATCH, HIST), 0, NUM_IMAGES, dtype=jnp.int32)
    neutral_idx = 0
    # nn.Embedding(num_images, 1) with weight.data.fill_(0.0)
    table_w = jnp.zeros((NUM_IMAGES, 1), dtype=jnp.float32)
    return {"x": x, "neutral_idx": neutral_idx, "table_w": table_w}


def reference(x, neutral_idx, table_w):
    # neutral_gain = self.table(neutral_idx) -> shape [1]
    neutral_gain = jnp.take(table_w, jnp.asarray(neutral_idx), axis=0)
    # table_result = self.table(x) - neutral_gain -> [B, L, 1]
    table_result = jnp.take(table_w, x, axis=0) - neutral_gain
    return jnp.power(2.0, table_result)

if __name__ == "__main__":
    import jax
    _d = setup_inputs()
    print(jax.jit(kernel)(*tuple(_d.values())))

</pallas_src>

<mosaic_0001>
#map = affine_map<(d0, d1) -> (0)>
module attributes {stable_mosaic.version = 14 : i64} {
  func.func @body(%arg0: i32, %arg1: i32, %arg2: memref<1000000xf32, #tpu.memory_space<hbm>>, %arg3: memref<3276800xi32, #tpu.memory_space<hbm>>, %arg4: memref<16xi32, #tpu.memory_space<hbm>>, %arg5: memref<3276800xf32, #tpu.memory_space<hbm>>, %arg6: memref<5120xi32, #tpu.memory_space<vmem>>, %arg7: memref<5120xi32, #tpu.memory_space<vmem>>, %arg8: memref<5120xf32, #tpu.memory_space<vmem>>, %arg9: memref<5120xf32, #tpu.memory_space<vmem>>, %arg10: memref<16xi32, #tpu.memory_space<vmem>>, %arg11: memref<16xf32, #tpu.memory_space<vmem>>, %arg12: memref<1000000xf32, #tpu.memory_space<vmem_shared>>, %arg13: memref<25000xf32, #tpu.memory_space<vmem>>, %arg14: memref<!tpu.dma_semaphore, #tpu.memory_space<semaphore_mem>>, %arg15: memref<!tpu.dma_semaphore, #tpu.memory_space<semaphore_mem>>, %arg16: memref<!tpu.dma_semaphore, #tpu.memory_space<semaphore_mem>>, %arg17: memref<!tpu.dma_semaphore, #tpu.memory_space<semaphore_mem>>, %arg18: memref<!tpu.dma_semaphore, #tpu.memory_space<semaphore_mem>>, %arg19: memref<!tpu.dma_semaphore, #tpu.memory_space<semaphore_mem>>) attributes {dimension_semantics = [#tpu.dimension_semantics<core_parallel>, #tpu.dimension_semantics<subcore_parallel>], iteration_bounds = array<i64: 2, 16>, scalar_prefetch = 0 : i64, scratch_operands = 14 : i64, tpu.core_type = #tpu.core_type<sc_vector_subcore>, window_params = [{transform_indices = #map}, {transform_indices = #map}, {transform_indices = #map}, {transform_indices = #map}]} {
    %mul3A = arith.constant 2 : i32
    %mul3A_0 = arith.muli %arg1, %mul3A : i32
    %add3A = arith.addi %mul3A_0, %arg0 : i32
    %mul3A_1 = arith.constant 102400 : i32
    %mul3A_2 = arith.muli %add3A, %mul3A_1 : i32
    %lt3A = arith.constant 8 : i32
    %lt3A_3 = arith.cmpi slt, %arg1, %lt3A : i32
    %convert_element_type3A = arith.extui %lt3A_3 : i1 to i32
    %cond3A = arith.constant 0 : i32
    %cond3A_4 = arith.cmpi ne, %convert_element_type3A, %cond3A : i32
    scf.if %cond3A_4 {
      %scan3A_36 = arith.constant 0 : i32
      %scan3A_37 = arith.constant 0 : i32
      %scan3A_38 = arith.constant 5 : i32
      %scan3A_39 = arith.addi %scan3A_37, %scan3A_38 : i32
      %scan3A_40 = arith.constant 1 : i32
      scf.for %scan3A_42 = %scan3A_37 to %scan3A_39 step %scan3A_40  : i32 {
        %mul3A_43 = arith.constant 125000 : i32
        %mul3A_44 = arith.muli %arg1, %mul3A_43 : i32
        %mul3A_45 = arith.constant 25000 : i32
        %mul3A_46 = arith.muli %scan3A_42, %mul3A_45 : i32
        %add3A_47 = arith.addi %mul3A_44, %mul3A_46 : i32
        "tpu.region"() ({
          %run_scoped3A = tpu.sem_alloc : memref<!tpu.dma_semaphore, #tpu.memory_space<semaphore_mem>>
          %dma_start3A_48 = tpu.memref_slice %arg2[%add3A_47] : memref<1000000xf32, #tpu.memory_space<hbm>> -> memref<25000xf32, #tpu.memory_space<hbm>>
          %dma_start3A_49 = tpu.memref_slice %arg2[%add3A_47] : memref<1000000xf32, #tpu.memory_space<hbm>> -> memref<25000xf32, #tpu.memory_space<hbm>>
          tpu.enqueue_dma source(%dma_start3A_49 : memref<25000xf32, #tpu.memory_space<hbm>>) target(%arg13 : memref<25000xf32, #tpu.memory_space<vmem>>) target_semaphore(%run_scoped3A : memref<!tpu.dma_semaphore, #tpu.memory_space<semaphore_mem>>)
          %dma_wait3A_50 = tpu.memref_slice %arg2[%add3A_47] : memref<1000000xf32, #tpu.memory_space<hbm>> -> memref<25000xf32, #tpu.memory_space<hbm>>
          %dma_wait3A_51 = tpu.memref_slice %arg2[%add3A_47] : memref<1000000xf32, #tpu.memory_space<hbm>> -> memref<25000xf32, #tpu.memory_space<hbm>>
          tpu.wait_dma2 semaphore(%run_scoped3A : memref<!tpu.dma_semaphore, #tpu.memory_space<semaphore_mem>>) src(%dma_wait3A_51 : memref<25000xf32, #tpu.memory_space<hbm>>) dst(%arg13 : memref<25000xf32, #tpu.memory_space<vmem>>)
          tpu.yield
        }) : () -> ()
        "tpu.region"() ({
          %run_scoped3A = tpu.sem_alloc : memref<!tpu.dma_semaphore, #tpu.memory_space<semaphore_mem>>
          %dma_start3A_48 = tpu.memref_slice %arg12[%add3A_47] : memref<1000000xf32, #tpu.memory_space<vmem_shared>> -> memref<25000xf32, #tpu.memory_space<vmem_shared>>
          %dma_start3A_49 = tpu.memref_slice %arg12[%add3A_47] : memref<1000000xf32, #tpu.memory_space<vmem_shared>> -> memref<25000xf32, #tpu.memory_space<vmem_shared>>
          tpu.enqueue_dma source(%arg13 : memref<25000xf32, #tpu.memory_space<vmem>>) target(%dma_start3A_49 : memref<25000xf32, #tpu.memory_space<vmem_shared>>) target_semaphore(%run_scoped3A : memref<!tpu.dma_semaphore, #tpu.memory_space<semaphore_mem>>)
          %dma_wait3A_50 = tpu.memref_slice %arg12[%add3A_47] : memref<1000000xf32, #tpu.memory_space<vmem_shared>> -> memref<25000xf32, #tpu.memory_space<vmem_shared>>
          %dma_wait3A_51 = tpu.memref_slice %arg12[%add3A_47] : memref<1000000xf32, #tpu.memory_space<vmem_shared>> -> memref<25000xf32, #tpu.memory_space<vmem_shared>>
          tpu.wait_dma2 semaphore(%run_scoped3A : memref<!tpu.dma_semaphore, #tpu.memory_space<semaphore_mem>>) src(%arg13 : memref<25000xf32, #tpu.memory_space<vmem>>) dst(%dma_wait3A_51 : memref<25000xf32, #tpu.memory_space<vmem_shared>>)
          tpu.yield
        }) : () -> ()
      }
      %scan3A_41 = arith.constant 5 : i32
    } else {
    }
    "tpu.region"() ({
      %run_scoped3A = tpu.sem_alloc : memref<!tpu.dma_semaphore, #tpu.memory_space<semaphore_mem>>
      tpu.enqueue_dma source(%arg4 : memref<16xi32, #tpu.memory_space<hbm>>) target(%arg10 : memref<16xi32, #tpu.memory_space<vmem>>) target_semaphore(%run_scoped3A : memref<!tpu.dma_semaphore, #tpu.memory_space<semaphore_mem>>)
      tpu.wait_dma2 semaphore(%run_scoped3A : memref<!tpu.dma_semaphore, #tpu.memory_space<semaphore_mem>>) src(%arg4 : memref<16xi32, #tpu.memory_space<hbm>>) dst(%arg10 : memref<16xi32, #tpu.memory_space<vmem>>)
      tpu.yield
    }) : () -> ()
    %dma_start3A = arith.constant 0 : i32
    %dma_start3A_5 = tpu.memref_slice %arg2[%dma_start3A] : memref<1000000xf32, #tpu.memory_space<hbm>> -> memref<1000000xf32, #tpu.memory_space<hbm>>
    tpu.enqueue_indirect_dma source(%dma_start3A_5 : memref<1000000xf32, #tpu.memory_space<hbm>>) target(%arg11 : memref<16xf32, #tpu.memory_space<vmem>>) offsets(%arg10 : memref<16xi32, #tpu.memory_space<vmem>>) semaphore(%arg14 : memref<!tpu.dma_semaphore, #tpu.memory_space<semaphore_mem>>)
    %dma_wait3A = arith.constant 0 : i32
    %dma_wait3A_6 = tpu.memref_slice %arg2[%dma_wait3A] : memref<1000000xf32, #tpu.memory_space<hbm>> -> memref<1000000xf32, #tpu.memory_space<hbm>>
    tpu.wait_indirect_dma semaphore(%arg14 : memref<!tpu.dma_semaphore, #tpu.memory_space<semaphore_mem>>) src(%dma_wait3A_6 : memref<1000000xf32, #tpu.memory_space<hbm>>) dst(%arg11 : memref<16xf32, #tpu.memory_space<vmem>>)
    %barrier3A = arith.constant 0 : index
    tpu.barrier barrier_id(%barrier3A)
    %dma_start3A_7 = tpu.memref_slice %arg3[%mul3A_2] : memref<3276800xi32, #tpu.memory_space<hbm>> -> memref<5120xi32, #tpu.memory_space<hbm>>
    %dma_start3A_8 = tpu.memref_slice %arg3[%mul3A_2] : memref<3276800xi32, #tpu.memory_space<hbm>> -> memref<5120xi32, #tpu.memory_space<hbm>>
    tpu.enqueue_dma source(%dma_start3A_8 : memref<5120xi32, #tpu.memory_space<hbm>>) target(%arg6 : memref<5120xi32, #tpu.memory_space<vmem>>) target_semaphore(%arg16 : memref<!tpu.dma_semaphore, #tpu.memory_space<semaphore_mem>>)
    %add3A_9 = arith.constant 5120 : i32
    %add3A_10 = arith.addi %mul3A_2, %add3A_9 : i32
    %dma_start3A_11 = tpu.memref_slice %arg3[%add3A_10] : memref<3276800xi32, #tpu.memory_space<hbm>> -> memref<5120xi32, #tpu.memory_space<hbm>>
    %dma_start3A_12 = tpu.memref_slice %arg3[%add3A_10] : memref<3276800xi32, #tpu.memory_space<hbm>> -> memref<5120xi32, #tpu.memory_space<hbm>>
    tpu.enqueue_dma source(%dma_start3A_12 : memref<5120xi32, #tpu.memory_space<hbm>>) target(%arg7 : memref<5120xi32, #tpu.memory_space<vmem>>) target_semaphore(%arg17 : memref<!tpu.dma_semaphore, #tpu.memory_space<semaphore_mem>>)
    %dma_wait3A_13 = arith.constant 0 : i32
    %dma_wait3A_14 = tpu.memref_slice %arg3[%dma_wait3A_13] : memref<3276800xi32, #tpu.memory_space<hbm>> -> memref<5120xi32, #tpu.memory_space<hbm>>
    %dma_wait3A_15 = arith.constant 0 : i32
    %dma_wait3A_16 = tpu.memref_slice %arg3[%dma_wait3A_15] : memref<3276800xi32, #tpu.memory_space<hbm>> -> memref<5120xi32, #tpu.memory_space<hbm>>
    tpu.wait_dma2 semaphore(%arg16 : memref<!tpu.dma_semaphore, #tpu.memory_space<semaphore_mem>>) src(%dma_wait3A_16 : memref<5120xi32, #tpu.memory_space<hbm>>) dst(%arg6 : memref<5120xi32, #tpu.memory_space<vmem>>)
    %scan3A = arith.constant 0 : i32
    %scan3A_17 = arith.constant 0 : i32
    %scan3A_18 = arith.constant 10 : i32
    %scan3A_19 = arith.addi %scan3A_17, %scan3A_18 : i32
    %scan3A_20 = arith.constant 1 : i32
    scf.for %scan3A_36 = %scan3A_17 to %scan3A_19 step %scan3A_20  : i32 {
      %mul3A_37 = arith.constant 512 : i32
      %mul3A_38 = arith.muli %scan3A_36, %mul3A_37 : i32
      %mul3A_39 = arith.constant 512 : i32
      %mul3A_40 = arith.muli %scan3A_36, %mul3A_39 : i32
      %dma_start3A_41 = tpu.memref_slice %arg8[%mul3A_40] : memref<5120xf32, #tpu.memory_space<vmem>> -> memref<512xf32, #tpu.memory_space<vmem>>
      %dma_start3A_42 = tpu.memref_slice %arg6[%mul3A_38] : memref<5120xi32, #tpu.memory_space<vmem>> -> memref<512xi32, #tpu.memory_space<vmem>>
      %dma_start3A_43 = arith.constant 0 : i32
      %dma_start3A_44 = tpu.memref_slice %arg12[%dma_start3A_43] : memref<1000000xf32, #tpu.memory_space<vmem_shared>> -> memref<1000000xf32, #tpu.memory_space<vmem_shared>>
      tpu.enqueue_indirect_dma source(%dma_start3A_44 : memref<1000000xf32, #tpu.memory_space<vmem_shared>>) target(%dma_start3A_41 : memref<512xf32, #tpu.memory_space<vmem>>) offsets(%dma_start3A_42 : memref<512xi32, #tpu.memory_space<vmem>>) semaphore(%arg14 : memref<!tpu.dma_semaphore, #tpu.memory_space<semaphore_mem>>)
    }
    %scan3A_21 = arith.constant 10 : i32
    %scan3A_22 = arith.constant 0 : i32
    %scan3A_23 = arith.constant 0 : i32
    %scan3A_24 = arith.constant 10 : i32
    %scan3A_25 = arith.addi %scan3A_23, %scan3A_24 : i32
    %scan3A_26 = arith.constant 1 : i32
    scf.for %scan3A_36 = %scan3A_23 to %scan3A_25 step %scan3A_26  : i32 {
      %mul3A_37 = arith.constant 2 : i32
      %mul3A_38 = arith.muli %mul3A_37, %scan3A_36 : i32
      %add3A_39 = arith.constant 1 : i32
      %add3A_40 = arith.addi %mul3A_38, %add3A_39 : i32
      %lt3A_41 = arith.constant 20 : i32
      %lt3A_42 = arith.cmpi slt, %add3A_40, %lt3A_41 : i32
      %convert_element_type3A_43 = arith.extui %lt3A_42 : i1 to i32
      %cond3A_44 = arith.constant 0 : i32
      %cond3A_45 = arith.cmpi ne, %convert_element_type3A_43, %cond3A_44 : i32
      scf.if %cond3A_45 {
        %dma_wait3A_106 = arith.constant 0 : i32
        %dma_wait3A_107 = tpu.memref_slice %arg3[%dma_wait3A_106] : memref<3276800xi32, #tpu.memory_space<hbm>> -> memref<5120xi32, #tpu.memory_space<hbm>>
        %dma_wait3A_108 = arith.constant 0 : i32
        %dma_wait3A_109 = tpu.memref_slice %arg3[%dma_wait3A_108] : memref<3276800xi32, #tpu.memory_space<hbm>> -> memref<5120xi32, #tpu.memory_space<hbm>>
        tpu.wait_dma2 semaphore(%arg17 : memref<!tpu.dma_semaphore, #tpu.memory_space<semaphore_mem>>) src(%dma_wait3A_109 : memref<5120xi32, #tpu.memory_space<hbm>>) dst(%arg7 : memref<5120xi32, #tpu.memory_space<vmem>>)
        %ge3A = arith.constant 1 : i32
        %ge3A_110 = arith.cmpi sge, %mul3A_38, %ge3A : i32
        %convert_element_type3A_111 = arith.extui %ge3A_110 : i1 to i32
        %cond3A_112 = arith.constant 0 : i32
        %cond3A_113 = arith.cmpi ne, %convert_element_type3A_111, %cond3A_112 : i32
        scf.if %cond3A_113 {
          %dma_wait3A_120 = arith.constant 0 : i32
          %dma_wait3A_121 = tpu.memref_slice %arg5[%dma_wait3A_120] : memref<3276800xf32, #tpu.memory_space<hbm>> -> memref<5120xf32, #tpu.memory_space<hbm>>
          %dma_wait3A_122 = arith.constant 0 : i32
          %dma_wait3A_123 = tpu.memref_slice %arg5[%dma_wait3A_122] : memref<3276800xf32, #tpu.memory_space<hbm>> -> memref<5120xf32, #tpu.memory_space<hbm>>
          tpu.wait_dma2 semaphore(%arg19 : memref<!tpu.dma_semaphore, #tpu.memory_space<semaphore_mem>>) src(%arg9 : memref<5120xf32, #tpu.memory_space<vmem>>) dst(%dma_wait3A_123 : memref<5120xf32, #tpu.memory_space<hbm>>)
        } else {
        }
        %scan3A_114 = arith.constant 0 : i32
        %scan3A_115 = arith.constant 0 : i32
        %scan3A_116 = arith.constant 10 : i32
        %scan3A_117 = arith.addi %scan3A_115, %scan3A_116 : i32
        %scan3A_118 = arith.constant 1 : i32
        scf.for %scan3A_120 = %scan3A_115 to %scan3A_117 step %scan3A_118  : i32 {
          %mul3A_121 = arith.constant 512 : i32
          %mul3A_122 = arith.muli %scan3A_120, %mul3A_121 : i32
          %mul3A_123 = arith.constant 512 : i32
          %mul3A_124 = arith.muli %scan3A_120, %mul3A_123 : i32
          %dma_start3A_125 = tpu.memref_slice %arg9[%mul3A_124] : memref<5120xf32, #tpu.memory_space<vmem>> -> memref<512xf32, #tpu.memory_space<vmem>>
          %dma_start3A_126 = tpu.memref_slice %arg7[%mul3A_122] : memref<5120xi32, #tpu.memory_space<vmem>> -> memref<512xi32, #tpu.memory_space<vmem>>
          %dma_start3A_127 = arith.constant 0 : i32
          %dma_start3A_128 = tpu.memref_slice %arg12[%dma_start3A_127] : memref<1000000xf32, #tpu.memory_space<vmem_shared>> -> memref<1000000xf32, #tpu.memory_space<vmem_shared>>
          tpu.enqueue_indirect_dma source(%dma_start3A_128 : memref<1000000xf32, #tpu.memory_space<vmem_shared>>) target(%dma_start3A_125 : memref<512xf32, #tpu.memory_space<vmem>>) offsets(%dma_start3A_126 : memref<512xi32, #tpu.memory_space<vmem>>) semaphore(%arg15 : memref<!tpu.dma_semaphore, #tpu.memory_space<semaphore_mem>>)
        }
        %scan3A_119 = arith.constant 10 : i32
      } else {
      }
      %dma_wait3A_46 = arith.constant 0 : i32
      %dma_wait3A_47 = tpu.memref_slice %arg5[%dma_wait3A_46] : memref<3276800xf32, #tpu.memory_space<hbm>> -> memref<5120xf32, #tpu.memory_space<hbm>>
      %dma_wait3A_48 = arith.constant 0 : i32
      %dma_wait3A_49 = tpu.memref_slice %arg5[%dma_wait3A_48] : memref<3276800xf32, #tpu.memory_space<hbm>> -> memref<5120xf32, #tpu.memory_space<hbm>>
      tpu.wait_dma2 semaphore(%arg14 : memref<!tpu.dma_semaphore, #tpu.memory_space<semaphore_mem>>) src(%dma_wait3A_49 : memref<5120xf32, #tpu.memory_space<hbm>>) dst(%arg8 : memref<5120xf32, #tpu.memory_space<vmem>>)
      %add3A_50 = arith.constant 2 : i32
      %add3A_51 = arith.addi %mul3A_38, %add3A_50 : i32
      %lt3A_52 = arith.constant 20 : i32
      %lt3A_53 = arith.cmpi slt, %add3A_51, %lt3A_52 : i32
      %convert_element_type3A_54 = arith.extui %lt3A_53 : i1 to i32
      %cond3A_55 = arith.constant 0 : i32
      %cond3A_56 = arith.cmpi ne, %convert_element_type3A_54, %cond3A_55 : i32
      scf.if %cond3A_56 {
        %add3A_106 = arith.constant 2 : i32
        %add3A_107 = arith.addi %mul3A_38, %add3A_106 : i32
        %mul3A_108 = arith.constant 5120 : i32
        %mul3A_109 = arith.muli %add3A_107, %mul3A_108 : i32
        %add3A_110 = arith.addi %mul3A_2, %mul3A_109 : i32
        %dma_start3A_111 = tpu.memref_slice %arg3[%add3A_110] : memref<3276800xi32, #tpu.memory_space<hbm>> -> memref<5120xi32, #tpu.memory_space<hbm>>
        %dma_start3A_112 = tpu.memref_slice %arg3[%add3A_110] : memref<3276800xi32, #tpu.memory_space<hbm>> -> memref<5120xi32, #tpu.memory_space<hbm>>
        tpu.enqueue_dma source(%dma_start3A_112 : memref<5120xi32, #tpu.memory_space<hbm>>) target(%arg6 : memref<5120xi32, #tpu.memory_space<vmem>>) target_semaphore(%arg16 : memref<!tpu.dma_semaphore, #tpu.memory_space<semaphore_mem>>)
      } else {
      }
      %get3A = arith.constant 0 : index
      %get3A_57 = tpu.vector_load %arg11[%get3A] {strides = array<i32>} : memref<16xf32, #tpu.memory_space<vmem>>, vector<16xf32>,
      %get3A_58 = vector.shape_cast %get3A_57 : vector<16xf32> to vector<16xf32>
      %scan3A_59 = arith.constant 0 : i32
      %scan3A_60 = arith.constant 0 : i32
      %scan3A_61 = arith.constant 320 : i32
      %scan3A_62 = arith.addi %scan3A_60, %scan3A_61 : i32
      %scan3A_63 = arith.constant 8 : i32
      scf.for %scan3A_106 = %scan3A_60 to %scan3A_62 step %scan3A_63  : i32 {
        %mul3A_107 = arith.constant 16 : i32
        %mul3A_108 = arith.muli %scan3A_106, %mul3A_107 : i32
        %get3A_109 = arith.index_cast %mul3A_108 : i32 to index
        %get3A_110 = tpu.vector_load %arg8[%get3A_109] {strides = array<i32>} : memref<5120xf32, #tpu.memory_space<vmem>>, vector<16xf32>,
        %get3A_111 = vector.shape_cast %get3A_110 : vector<16xf32> to vector<16xf32>
        %sub3A = arith.subf %get3A_111, %get3A_58 : vector<16xf32>
        %mul3A_112 = arith.constant 0.693147182 : f32
        %mul3A_113 = vector.broadcast %mul3A_112 : f32 to vector<16xf32>
        %mul3A_114 = arith.mulf %sub3A, %mul3A_113 : vector<16xf32>
        %exp3A = math.exp %mul3A_114 : vector<16xf32>
        %mul3A_115 = arith.constant 16 : i32
        %mul3A_116 = arith.muli %scan3A_106, %mul3A_115 : i32
        %swap3A = arith.index_cast %mul3A_116 : i32 to index
        %swap3A_117 = tpu.vector_load %arg8[%swap3A] {strides = array<i32>} : memref<5120xf32, #tpu.memory_space<vmem>>, vector<16xf32>,
        %swap3A_118 = vector.shape_cast %swap3A_117 : vector<16xf32> to vector<16xf32>
        %swap3A_119 = vector.shape_cast %exp3A : vector<16xf32> to vector<16xf32>
        tpu.vector_store %arg8[%swap3A], %swap3A_119 {strides = array<i32>} : memref<5120xf32, #tpu.memory_space<vmem>>, vector<16xf32>,
        %scan3A_120 = arith.constant 1 : i32
        %scan3A_121 = arith.addi %scan3A_106, %scan3A_120 : i32
        %mul3A_122 = arith.constant 16 : i32
        %mul3A_123 = arith.muli %scan3A_121, %mul3A_122 : i32
        %get3A_124 = arith.index_cast %mul3A_123 : i32 to index
        %get3A_125 = tpu.vector_load %arg8[%get3A_124] {strides = array<i32>} : memref<5120xf32, #tpu.memory_space<vmem>>, vector<16xf32>,
        %get3A_126 = vector.shape_cast %get3A_125 : vector<16xf32> to vector<16xf32>
        %sub3A_127 = arith.subf %get3A_126, %get3A_58 : vector<16xf32>
        %mul3A_128 = arith.constant 0.693147182 : f32
        %mul3A_129 = vector.broadcast %mul3A_128 : f32 to vector<16xf32>
        %mul3A_130 = arith.mulf %sub3A_127, %mul3A_129 : vector<16xf32>
        %exp3A_131 = math.exp %mul3A_130 : vector<16xf32>
        %mul3A_132 = arith.constant 16 : i32
        %mul3A_133 = arith.muli %scan3A_121, %mul3A_132 : i32
        %swap3A_134 = arith.index_cast %mul3A_133 : i32 to index
        %swap3A_135 = tpu.vector_load %arg8[%swap3A_134] {strides = array<i32>} : memref<5120xf32, #tpu.memory_space<vmem>>, vector<16xf32>,
        %swap3A_136 = vector.shape_cast %swap3A_135 : vector<16xf32> to vector<16xf32>
        %swap3A_137 = vector.shape_cast %exp3A_131 : vector<16xf32> to vector<16xf32>
        tpu.vector_store %arg8[%swap3A_134], %swap3A_137 {strides = array<i32>} : memref<5120xf32, #tpu.memory_space<vmem>>, vector<16xf32>,
        %scan3A_138 = arith.constant 2 : i32
        %scan3A_139 = arith.addi %scan3A_106, %scan3A_138 : i32
        %mul3A_140 = arith.constant 16 : i32
        %mul3A_141 = arith.muli %scan3A_139, %mul3A_140 : i32
        %get3A_142 = arith.index_cast %mul3A_141 : i32 to index
        %get3A_143 = tpu.vector_load %arg8[%get3A_142] {strides = array<i32>} : memref<5120xf32, #tpu.memory_space<vmem>>, vector<16xf32>,
        %get3A_144 = vector.shape_cast %get3A_143 : vector<16xf32> to vector<16xf32>
        %sub3A_145 = arith.subf %get3A_144, %get3A_58 : vector<16xf32>
        %mul3A_146 = arith.constant 0.693147182 : f32
        %mul3A_147 = vector.broadcast %mul3A_146 : f32 to vector<16xf32>
        %mul3A_148 = arith.mulf %sub3A_145, %mul3A_147 : vector<16xf32>
        %exp3A_149 = math.exp %mul3A_148 : vector<16xf32>
        %mul3A_150 = arith.constant 16 : i32
        %mul3A_151 = arith.muli %scan3A_139, %mul3A_150 : i32
        %swap3A_152 = arith.index_cast %mul3A_151 : i32 to index
        %swap3A_153 = tpu.vector_load %arg8[%swap3A_152] {strides = array<i32>} : memref<5120xf32, #tpu.memory_space<vmem>>, vector<16xf32>,
        %swap3A_154 = vector.shape_cast %swap3A_153 : vector<16xf32> to vector<16xf32>
        %swap3A_155 = vector.shape_cast %exp3A_149 : vector<16xf32> to vector<16xf32>
        tpu.vector_store %arg8[%swap3A_152], %swap3A_155 {strides = array<i32>} : memref<5120xf32, #tpu.memory_space<vmem>>, vector<16xf32>,
        %scan3A_156 = arith.constant 3 : i32
        %scan3A_157 = arith.addi %scan3A_106, %scan3A_156 : i32
        %mul3A_158 = arith.constant 16 : i32
        %mul3A_159 = arith.muli %scan3A_157, %mul3A_158 : i32
        %get3A_160 = arith.index_cast %mul3A_159 : i32 to index
        %get3A_161 = tpu.vector_load %arg8[%get3A_160] {strides = array<i32>} : memref<5120xf32, #tpu.memory_space<vmem>>, vector<16xf32>,
        %get3A_162 = vector.shape_cast %get3A_161 : vector<16xf32> to vector<16xf32>
        %sub3A_163 = arith.subf %get3A_162, %get3A_58 : vector<16xf32>
        %mul3A_164 = arith.constant 0.693147182 : f32
        %mul3A_165 = vector.broadcast %mul3A_164 : f32 to vector<16xf32>
        %mul3A_166 = arith.mulf %sub3A_163, %mul3A_165 : vector<16xf32>
        %exp3A_167 = math.exp %mul3A_166 : vector<16xf32>
        %mul3A_168 = arith.constant 16 : i32
        %mul3A_169 = arith.muli %scan3A_157, %mul3A_168 : i32
        %swap3A_170 = arith.index_cast %mul3A_169 : i32 to index
        %swap3A_171 = tpu.vector_load %arg8[%swap3A_170] {strides = array<i32>} : memref<5120xf32, #tpu.memory_space<vmem>>, vector<16xf32>,
        %swap3A_172 = vector.shape_cast %swap3A_171 : vector<16xf32> to vector<16xf32>
        %swap3A_173 = vector.shape_cast %exp3A_167 : vector<16xf32> to vector<16xf32>
        tpu.vector_store %arg8[%swap3A_170], %swap3A_173 {strides = array<i32>} : memref<5120xf32, #tpu.memory_space<vmem>>, vector<16xf32>,
        %scan3A_174 = arith.constant 4 : i32
        %scan3A_175 = arith.addi %scan3A_106, %scan3A_174 : i32
        %mul3A_176 = arith.constant 16 : i32
        %mul3A_177 = arith.muli %scan3A_175, %mul3A_176 : i32
        %get3A_178 = arith.index_cast %mul3A_177 : i32 to index
        %get3A_179 = tpu.vector_load %arg8[%get3A_178] {strides = array<i32>} : memref<5120xf32, #tpu.memory_space<vmem>>, vector<16xf32>,
        %get3A_180 = vector.shape_cast %get3A_179 : vector<16xf32> to vector<16xf32>
        %sub3A_181 = arith.subf %get3A_180, %get3A_58 : vector<16xf32>
        %mul3A_182 = arith.constant 0.693147182 : f32
        %mul3A_183 = vector.broadcast %mul3A_182 : f32 to vector<16xf32>
        %mul3A_184 = arith.mulf %sub3A_181, %mul3A_183 : vector<16xf32>
        %exp3A_185 = math.exp %mul3A_184 : vector<16xf32>
        %mul3A_186 = arith.constant 16 : i32
        %mul3A_187 = arith.muli %scan3A_175, %mul3A_186 : i32
        %swap3A_188 = arith.index_cast %mul3A_187 : i32 to index
        %swap3A_189 = tpu.vector_load %arg8[%swap3A_188] {strides = array<i32>} : memref<5120xf32, #tpu.memory_space<vmem>>, vector<16xf32>,
        %swap3A_190 = vector.shape_cast %swap3A_189 : vector<16xf32> to vector<16xf32>
        %swap3A_191 = vector.shape_cast %exp3A_185 : vector<16xf32> to vector<16xf32>
        tpu.vector_store %arg8[%swap3A_188], %swap3A_191 {strides = array<i32>} : memref<5120xf32, #tpu.memory_space<vmem>>, vector<16xf32>,
        %scan3A_192 = arith.constant 5 : i32
        %scan3A_193 = arith.addi %scan3A_106, %scan3A_192 : i32
        %mul3A_194 = arith.constant 16 : i32
        %mul3A_195 = arith.muli %scan3A_193, %mul3A_194 : i32
        %get3A_196 = arith.index_cast %mul3A_195 : i32 to index
        %get3A_197 = tpu.vector_load %arg8[%get3A_196] {strides = array<i32>} : memref<5120xf32, #tpu.memory_space<vmem>>, vector<16xf32>,
        %get3A_198 = vector.shape_cast %get3A_197 : vector<16xf32> to vector<16xf32>
        %sub3A_199 = arith.subf %get3A_198, %get3A_58 : vector<16xf32>
        %mul3A_200 = arith.constant 0.693147182 : f32
        %mul3A_201 = vector.broadcast %mul3A_200 : f32 to vector<16xf32>
        %mul3A_202 = arith.mulf %sub3A_199, %mul3A_201 : vector<16xf32>
        %exp3A_203 = math.exp %mul3A_202 : vector<16xf32>
        %mul3A_204 = arith.constant 16 : i32
        %mul3A_205 = arith.muli %scan3A_193, %mul3A_204 : i32
        %swap3A_206 = arith.index_cast %mul3A_205 : i32 to index
        %swap3A_207 = tpu.vector_load %arg8[%swap3A_206] {strides = array<i32>} : memref<5120xf32, #tpu.memory_space<vmem>>, vector<16xf32>,
        %swap3A_208 = vector.shape_cast %swap3A_207 : vector<16xf32> to vector<16xf32>
        %swap3A_209 = vector.shape_cast %exp3A_203 : vector<16xf32> to vector<16xf32>
        tpu.vector_store %arg8[%swap3A_206], %swap3A_209 {strides = array<i32>} : memref<5120xf32, #tpu.memory_space<vmem>>, vector<16xf32>,
        %scan3A_210 = arith.constant 6 : i32
        %scan3A_211 = arith.addi %scan3A_106, %scan3A_210 : i32
        %mul3A_212 = arith.constant 16 : i32
        %mul3A_213 = arith.muli %scan3A_211, %mul3A_212 : i32
        %get3A_214 = arith.index_cast %mul3A_213 : i32 to index
        %get3A_215 = tpu.vector_load %arg8[%get3A_214] {strides = array<i32>} : memref<5120xf32, #tpu.memory_space<vmem>>, vector<16xf32>,
        %get3A_216 = vector.shape_cast %get3A_215 : vector<16xf32> to vector<16xf32>
        %sub3A_217 = arith.subf %get3A_216, %get3A_58 : vector<16xf32>
        %mul3A_218 = arith.constant 0.693147182 : f32
        %mul3A_219 = vector.broadcast %mul3A_218 : f32 to vector<16xf32>
        %mul3A_220 = arith.mulf %sub3A_217, %mul3A_219 : vector<16xf32>
        %exp3A_221 = math.exp %mul3A_220 : vector<16xf32>
        %mul3A_222 = arith.constant 16 : i32
        %mul3A_223 = arith.muli %scan3A_211, %mul3A_222 : i32
        %swap3A_224 = arith.index_cast %mul3A_223 : i32 to index
        %swap3A_225 = tpu.vector_load %arg8[%swap3A_224] {strides = array<i32>} : memref<5120xf32, #tpu.memory_space<vmem>>, vector<16xf32>,
        %swap3A_226 = vector.shape_cast %swap3A_225 : vector<16xf32> to vector<16xf32>
        %swap3A_227 = vector.shape_cast %exp3A_221 : vector<16xf32> to vector<16xf32>
        tpu.vector_store %arg8[%swap3A_224], %swap3A_227 {strides = array<i32>} : memref<5120xf32, #tpu.memory_space<vmem>>, vector<16xf32>,
        %scan3A_228 = arith.constant 7 : i32
        %scan3A_229 = arith.addi %scan3A_106, %scan3A_228 : i32
        %mul3A_230 = arith.constant 16 : i32
        %mul3A_231 = arith.muli %scan3A_229, %mul3A_230 : i32
        %get3A_232 = arith.index_cast %mul3A_231 : i32 to index
        %get3A_233 = tpu.vector_load %arg8[%get3A_232] {strides = array<i32>} : memref<5120xf32, #tpu.memory_space<vmem>>, vector<16xf32>,
        %get3A_234 = vector.shape_cast %get3A_233 : vector<16xf32> to vector<16xf32>
        %sub3A_235 = arith.subf %get3A_234, %get3A_58 : vector<16xf32>
        %mul3A_236 = arith.constant 0.693147182 : f32
        %mul3A_237 = vector.broadcast %mul3A_236 : f32 to vector<16xf32>
        %mul3A_238 = arith.mulf %sub3A_235, %mul3A_237 : vector<16xf32>
        %exp3A_239 = math.exp %mul3A_238 : vector<16xf32>
        %mul3A_240 = arith.constant 16 : i32
        %mul3A_241 = arith.muli %scan3A_229, %mul3A_240 : i32
        %swap3A_242 = arith.index_cast %mul3A_241 : i32 to index
        %swap3A_243 = tpu.vector_load %arg8[%swap3A_242] {strides = array<i32>} : memref<5120xf32, #tpu.memory_space<vmem>>, vector<16xf32>,
        %swap3A_244 = vector.shape_cast %swap3A_243 : vector<16xf32> to vector<16xf32>
        %swap3A_245 = vector.shape_cast %exp3A_239 : vector<16xf32> to vector<16xf32>
        tpu.vector_store %arg8[%swap3A_242], %swap3A_245 {strides = array<i32>} : memref<5120xf32, #tpu.memory_space<vmem>>, vector<16xf32>,
      }
      %scan3A_64 = arith.constant 320 : i32
      %mul3A_65 = arith.constant 5120 : i32
      %mul3A_66 = arith.muli %mul3A_38, %mul3A_65 : i32
      %add3A_67 = arith.addi %mul3A_2, %mul3A_66 : i32
      %dma_start3A_68 = tpu.memref_slice %arg5[%add3A_67] : memref<3276800xf32, #tpu.memory_space<hbm>> -> memref<5120xf32, #tpu.memory_space<hbm>>
      %dma_start3A_69 = tpu.memref_slice %arg5[%add3A_67] : memref<3276800xf32, #tpu.memory_space<hbm>> -> memref<5120xf32, #tpu.memory_space<hbm>>
      tpu.enqueue_dma source(%arg8 : memref<5120xf32, #tpu.memory_space<vmem>>) target(%dma_start3A_69 : memref<5120xf32, #tpu.memory_space<hbm>>) target_semaphore(%arg18 : memref<!tpu.dma_semaphore, #tpu.memory_space<semaphore_mem>>)
      %mul3A_70 = arith.constant 2 : i32
      %mul3A_71 = arith.muli %mul3A_70, %scan3A_36 : i32
      %add3A_72 = arith.constant 1 : i32
      %add3A_73 = arith.addi %mul3A_71, %add3A_72 : i32
      %add3A_74 = arith.constant 1 : i32
      %add3A_75 = arith.addi %add3A_73, %add3A_74 : i32
      %lt3A_76 = arith.constant 20 : i32
      %lt3A_77 = arith.cmpi slt, %add3A_75, %lt3A_76 : i32
      %convert_element_type3A_78 = arith.extui %lt3A_77 : i1 to i32
      %cond3A_79 = arith.constant 0 : i32
      %cond3A_80 = arith.cmpi ne, %convert_element_type3A_78, %cond3A_79 : i32
      scf.if %cond3A_80 {
        %dma_wait3A_106 = arith.constant 0 : i32
        %dma_wait3A_107 = tpu.memref_slice %arg3[%dma_wait3A_106] : memref<3276800xi32, #tpu.memory_space<hbm>> -> memref<5120xi32, #tpu.memory_space<hbm>>
        %dma_wait3A_108 = arith.constant 0 : i32
        %dma_wait3A_109 = tpu.memref_slice %arg3[%dma_wait3A_108] : memref<3276800xi32, #tpu.memory_space<hbm>> -> memref<5120xi32, #tpu.memory_space<hbm>>
        tpu.wait_dma2 semaphore(%arg16 : memref<!tpu.dma_semaphore, #tpu.memory_space<semaphore_mem>>) src(%dma_wait3A_109 : memref<5120xi32, #tpu.memory_space<hbm>>) dst(%arg6 : memref<5120xi32, #tpu.memory_space<vmem>>)
        %ge3A = arith.constant 1 : i32
        %ge3A_110 = arith.cmpi sge, %add3A_73, %ge3A : i32
        %convert_element_type3A_111 = arith.extui %ge3A_110 : i1 to i32
        %cond3A_112 = arith.constant 0 : i32
        %cond3A_113 = arith.cmpi ne, %convert_element_type3A_111, %cond3A_112 : i32
        scf.if %cond3A_113 {
          %dma_wait3A_120 = arith.constant 0 : i32
          %dma_wait3A_121 = tpu.memref_slice %arg5[%dma_wait3A_120] : memref<3276800xf32, #tpu.memory_space<hbm>> -> memref<5120xf32, #tpu.memory_space<hbm>>
          %dma_wait3A_122 = arith.constant 0 : i32
          %dma_wait3A_123 = tpu.memref_slice %arg5[%dma_wait3A_122] : memref<3276800xf32, #tpu.memory_space<hbm>> -> memref<5120xf32, #tpu.memory_space<hbm>>
          tpu.wait_dma2 semaphore(%arg18 : memref<!tpu.dma_semaphore, #tpu.memory_space<semaphore_mem>>) src(%arg8 : memref<5120xf32, #tpu.memory_space<vmem>>) dst(%dma_wait3A_123 : memref<5120xf32, #tpu.memory_space<hbm>>)
        } else {
        }
        %scan3A_114 = arith.constant 0 : i32
        %scan3A_115 = arith.constant 0 : i32
        %scan3A_116 = arith.constant 10 : i32
        %scan3A_117 = arith.addi %scan3A_115, %scan3A_116 : i32
        %scan3A_118 = arith.constant 1 : i32
        scf.for %scan3A_120 = %scan3A_115 to %scan3A_117 step %scan3A_118  : i32 {
          %mul3A_121 = arith.constant 512 : i32
          %mul3A_122 = arith.muli %scan3A_120, %mul3A_121 : i32
          %mul3A_123 = arith.constant 512 : i32
          %mul3A_124 = arith.muli %scan3A_120, %mul3A_123 : i32
          %dma_start3A_125 = tpu.memref_slice %arg8[%mul3A_124] : memref<5120xf32, #tpu.memory_space<vmem>> -> memref<512xf32, #tpu.memory_space<vmem>>
          %dma_start3A_126 = tpu.memref_slice %arg6[%mul3A_122] : memref<5120xi32, #tpu.memory_space<vmem>> -> memref<512xi32, #tpu.memory_space<vmem>>
          %dma_start3A_127 = arith.constant 0 : i32
          %dma_start3A_128 = tpu.memref_slice %arg12[%dma_start3A_127] : memref<1000000xf32, #tpu.memory_space<vmem_shared>> -> memref<1000000xf32, #tpu.memory_space<vmem_shared>>
          tpu.enqueue_indirect_dma source(%dma_start3A_128 : memref<1000000xf32, #tpu.memory_space<vmem_shared>>) target(%dma_start3A_125 : memref<512xf32, #tpu.memory_space<vmem>>) offsets(%dma_start3A_126 : memref<512xi32, #tpu.memory_space<vmem>>) semaphore(%arg14 : memref<!tpu.dma_semaphore, #tpu.memory_space<semaphore_mem>>)
        }
        %scan3A_119 = arith.constant 10 : i32
      } else {
      }
      %dma_wait3A_81 = arith.constant 0 : i32
      %dma_wait3A_82 = tpu.memref_slice %arg5[%dma_wait3A_81] : memref<3276800xf32, #tpu.memory_space<hbm>> -> memref<5120xf32, #tpu.memory_space<hbm>>
      %dma_wait3A_83 = arith.constant 0 : i32
      %dma_wait3A_84 = tpu.memref_slice %arg5[%dma_wait3A_83] : memref<3276800xf32, #tpu.memory_space<hbm>> -> memref<5120xf32, #tpu.memory_space<hbm>>
      tpu.wait_dma2 semaphore(%arg15 : memref<!tpu.dma_semaphore, #tpu.memory_space<semaphore_mem>>) src(%dma_wait3A_84 : memref<5120xf32, #tpu.memory_space<hbm>>) dst(%arg9 : memref<5120xf32, #tpu.memory_space<vmem>>)
      %add3A_85 = arith.constant 2 : i32
      %add3A_86 = arith.addi %add3A_73, %add3A_85 : i32
      %lt3A_87 = arith.constant 20 : i32
      %lt3A_88 = arith.cmpi slt, %add3A_86, %lt3A_87 : i32
      %convert_element_type3A_89 = arith.extui %lt3A_88 : i1 to i32
      %cond3A_90 = arith.constant 0 : i32
      %cond3A_91 = arith.cmpi ne, %convert_element_type3A_89, %cond3A_90 : i32
      scf.if %cond3A_91 {
        %add3A_106 = arith.constant 2 : i32
        %add3A_107 = arith.addi %add3A_73, %add3A_106 : i32
        %mul3A_108 = arith.constant 5120 : i32
        %mul3A_109 = arith.muli %add3A_107, %mul3A_108 : i32
        %add3A_110 = arith.addi %mul3A_2, %mul3A_109 : i32
        %dma_start3A_111 = tpu.memref_slice %arg3[%add3A_110] : memref<3276800xi32, #tpu.memory_space<hbm>> -> memref<5120xi32, #tpu.memory_space<hbm>>
        %dma_start3A_112 = tpu.memref_slice %arg3[%add3A_110] : memref<3276800xi32, #tpu.memory_space<hbm>> -> memref<5120xi32, #tpu.memory_space<hbm>>
        tpu.enqueue_dma source(%dma_start3A_112 : memref<5120xi32, #tpu.memory_space<hbm>>) target(%arg7 : memref<5120xi32, #tpu.memory_space<vmem>>) target_semaphore(%arg17 : memref<!tpu.dma_semaphore, #tpu.memory_space<semaphore_mem>>)
      } else {
      }
      %get3A_92 = arith.constant 0 : index
      %get3A_93 = tpu.vector_load %arg11[%get3A_92] {strides = array<i32>} : memref<16xf32, #tpu.memory_space<vmem>>, vector<16xf32>,
      %get3A_94 = vector.shape_cast %get3A_93 : vector<16xf32> to vector<16xf32>
      %scan3A_95 = arith.constant 0 : i32
      %scan3A_96 = arith.constant 0 : i32
      %scan3A_97 = arith.constant 320 : i32
      %scan3A_98 = arith.addi %scan3A_96, %scan3A_97 : i32
      %scan3A_99 = arith.constant 8 : i32
      scf.for %scan3A_106 = %scan3A_96 to %scan3A_98 step %scan3A_99  : i32 {
        %mul3A_107 = arith.constant 16 : i32
        %mul3A_108 = arith.muli %scan3A_106, %mul3A_107 : i32
        %get3A_109 = arith.index_cast %mul3A_108 : i32 to index
        %get3A_110 = tpu.vector_load %arg9[%get3A_109] {strides = array<i32>} : memref<5120xf32, #tpu.memory_space<vmem>>, vector<16xf32>,
        %get3A_111 = vector.shape_cast %get3A_110 : vector<16xf32> to vector<16xf32>
        %sub3A = arith.subf %get3A_111, %get3A_94 : vector<16xf32>
        %mul3A_112 = arith.constant 0.693147182 : f32
        %mul3A_113 = vector.broadcast %mul3A_112 : f32 to vector<16xf32>
        %mul3A_114 = arith.mulf %sub3A, %mul3A_113 : vector<16xf32>
        %exp3A = math.exp %mul3A_114 : vector<16xf32>
        %mul3A_115 = arith.constant 16 : i32
        %mul3A_116 = arith.muli %scan3A_106, %mul3A_115 : i32
        %swap3A = arith.index_cast %mul3A_116 : i32 to index
        %swap3A_117 = tpu.vector_load %arg9[%swap3A] {strides = array<i32>} : memref<5120xf32, #tpu.memory_space<vmem>>, vector<16xf32>,
        %swap3A_118 = vector.shape_cast %swap3A_117 : vector<16xf32> to vector<16xf32>
        %swap3A_119 = vector.shape_cast %exp3A : vector<16xf32> to vector<16xf32>
        tpu.vector_store %arg9[%swap3A], %swap3A_119 {strides = array<i32>} : memref<5120xf32, #tpu.memory_space<vmem>>, vector<16xf32>,
        %scan3A_120 = arith.constant 1 : i32
        %scan3A_121 = arith.addi %scan3A_106, %scan3A_120 : i32
        %mul3A_122 = arith.constant 16 : i32
        %mul3A_123 = arith.muli %scan3A_121, %mul3A_122 : i32
        %get3A_124 = arith.index_cast %mul3A_123 : i32 to index
        %get3A_125 = tpu.vector_load %arg9[%get3A_124] {strides = array<i32>} : memref<5120xf32, #tpu.memory_space<vmem>>, vector<16xf32>,
        %get3A_126 = vector.shape_cast %get3A_125 : vector<16xf32> to vector<16xf32>
        %sub3A_127 = arith.subf %get3A_126, %get3A_94 : vector<16xf32>
        %mul3A_128 = arith.constant 0.693147182 : f32
        %mul3A_129 = vector.broadcast %mul3A_128 : f32 to vector<16xf32>
        %mul3A_130 = arith.mulf %sub3A_127, %mul3A_129 : vector<16xf32>
        %exp3A_131 = math.exp %mul3A_130 : vector<16xf32>
        %mul3A_132 = arith.constant 16 : i32
        %mul3A_133 = arith.muli %scan3A_121, %mul3A_132 : i32
        %swap3A_134 = arith.index_cast %mul3A_133 : i32 to index
        %swap3A_135 = tpu.vector_load %arg9[%swap3A_134] {strides = array<i32>} : memref<5120xf32, #tpu.memory_space<vmem>>, vector<16xf32>,
        %swap3A_136 = vector.shape_cast %swap3A_135 : vector<16xf32> to vector<16xf32>
        %swap3A_137 = vector.shape_cast %exp3A_131 : vector<16xf32> to vector<16xf32>
        tpu.vector_store %arg9[%swap3A_134], %swap3A_137 {strides = array<i32>} : memref<5120xf32, #tpu.memory_space<vmem>>, vector<16xf32>,
        %scan3A_138 = arith.constant 2 : i32
        %scan3A_139 = arith.addi %scan3A_106, %scan3A_138 : i32
        %mul3A_140 = arith.constant 16 : i32
        %mul3A_141 = arith.muli %scan3A_139, %mul3A_140 : i32
        %get3A_142 = arith.index_cast %mul3A_141 : i32 to index
        %get3A_143 = tpu.vector_load %arg9[%get3A_142] {strides = array<i32>} : memref<5120xf32, #tpu.memory_space<vmem>>, vector<16xf32>,
        %get3A_144 = vector.shape_cast %get3A_143 : vector<16xf32> to vector<16xf32>
        %sub3A_145 = arith.subf %get3A_144, %get3A_94 : vector<16xf32>
        %mul3A_146 = arith.constant 0.693147182 : f32
        %mul3A_147 = vector.broadcast %mul3A_146 : f32 to vector<16xf32>
        %mul3A_148 = arith.mulf %sub3A_145, %mul3A_147 : vector<16xf32>
        %exp3A_149 = math.exp %mul3A_148 : vector<16xf32>
        %mul3A_150 = arith.constant 16 : i32
        %mul3A_151 = arith.muli %scan3A_139, %mul3A_150 : i32
        %swap3A_152 = arith.index_cast %mul3A_151 : i32 to index
        %swap3A_153 = tpu.vector_load %arg9[%swap3A_152] {strides = array<i32>} : memref<5120xf32, #tpu.memory_space<vmem>>, vector<16xf32>,
        %swap3A_154 = vector.shape_cast %swap3A_153 : vector<16xf32> to vector<16xf32>
        %swap3A_155 = vector.shape_cast %exp3A_149 : vector<16xf32> to vector<16xf32>
        tpu.vector_store %arg9[%swap3A_152], %swap3A_155 {strides = array<i32>} : memref<5120xf32, #tpu.memory_space<vmem>>, vector<16xf32>,
        %scan3A_156 = arith.constant 3 : i32
        %scan3A_157 = arith.addi %scan3A_106, %scan3A_156 : i32
        %mul3A_158 = arith.constant 16 : i32
        %mul3A_159 = arith.muli %scan3A_157, %mul3A_158 : i32
        %get3A_160 = arith.index_cast %mul3A_159 : i32 to index
        %get3A_161 = tpu.vector_load %arg9[%get3A_160] {strides = array<i32>} : memref<5120xf32, #tpu.memory_space<vmem>>, vector<16xf32>,
        %get3A_162 = vector.shape_cast %get3A_161 : vector<16xf32> to vector<16xf32>
        %sub3A_163 = arith.subf %get3A_162, %get3A_94 : vector<16xf32>
        %mul3A_164 = arith.constant 0.693147182 : f32
        %mul3A_165 = vector.broadcast %mul3A_164 : f32 to vector<16xf32>
        %mul3A_166 = arith.mulf %sub3A_163, %mul3A_165 : vector<16xf32>
        %exp3A_167 = math.exp %mul3A_166 : vector<16xf32>
        %mul3A_168 = arith.constant 16 : i32
        %mul3A_169 = arith.muli %scan3A_157, %mul3A_168 : i32
        %swap3A_170 = arith.index_cast %mul3A_169 : i32 to index
        %swap3A_171 = tpu.vector_load %arg9[%swap3A_170] {strides = array<i32>} : memref<5120xf32, #tpu.memory_space<vmem>>, vector<16xf32>,
        %swap3A_172 = vector.shape_cast %swap3A_171 : vector<16xf32> to vector<16xf32>
        %swap3A_173 = vector.shape_cast %exp3A_167 : vector<16xf32> to vector<16xf32>
        tpu.vector_store %arg9[%swap3A_170], %swap3A_173 {strides = array<i32>} : memref<5120xf32, #tpu.memory_space<vmem>>, vector<16xf32>,
        %scan3A_174 = arith.constant 4 : i32
        %scan3A_175 = arith.addi %scan3A_106, %scan3A_174 : i32
        %mul3A_176 = arith.constant 16 : i32
        %mul3A_177 = arith.muli %scan3A_175, %mul3A_176 : i32
        %get3A_178 = arith.index_cast %mul3A_177 : i32 to index
        %get3A_179 = tpu.vector_load %arg9[%get3A_178] {strides = array<i32>} : memref<5120xf32, #tpu.memory_space<vmem>>, vector<16xf32>,
        %get3A_180 = vector.shape_cast %get3A_179 : vector<16xf32> to vector<16xf32>
        %sub3A_181 = arith.subf %get3A_180, %get3A_94 : vector<16xf32>
        %mul3A_182 = arith.constant 0.693147182 : f32
        %mul3A_183 = vector.broadcast %mul3A_182 : f32 to vector<16xf32>
        %mul3A_184 = arith.mulf %sub3A_181, %mul3A_183 : vector<16xf32>
        %exp3A_185 = math.exp %mul3A_184 : vector<16xf32>
        %mul3A_186 = arith.constant 16 : i32
        %mul3A_187 = arith.muli %scan3A_175, %mul3A_186 : i32
        %swap3A_188 = arith.index_cast %mul3A_187 : i32 to index
        %swap3A_189 = tpu.vector_load %arg9[%swap3A_188] {strides = array<i32>} : memref<5120xf32, #tpu.memory_space<vmem>>, vector<16xf32>,
        %swap3A_190 = vector.shape_cast %swap3A_189 : vector<16xf32> to vector<16xf32>
        %swap3A_191 = vector.shape_cast %exp3A_185 : vector<16xf32> to vector<16xf32>
        tpu.vector_store %arg9[%swap3A_188], %swap3A_191 {strides = array<i32>} : memref<5120xf32, #tpu.memory_space<vmem>>, vector<16xf32>,
        %scan3A_192 = arith.constant 5 : i32
        %scan3A_193 = arith.addi %scan3A_106, %scan3A_192 : i32
        %mul3A_194 = arith.constant 16 : i32
        %mul3A_195 = arith.muli %scan3A_193, %mul3A_194 : i32
        %get3A_196 = arith.index_cast %mul3A_195 : i32 to index
        %get3A_197 = tpu.vector_load %arg9[%get3A_196] {strides = array<i32>} : memref<5120xf32, #tpu.memory_space<vmem>>, vector<16xf32>,
        %get3A_198 = vector.shape_cast %get3A_197 : vector<16xf32> to vector<16xf32>
        %sub3A_199 = arith.subf %get3A_198, %get3A_94 : vector<16xf32>
        %mul3A_200 = arith.constant 0.693147182 : f32
        %mul3A_201 = vector.broadcast %mul3A_200 : f32 to vector<16xf32>
        %mul3A_202 = arith.mulf %sub3A_199, %mul3A_201 : vector<16xf32>
        %exp3A_203 = math.exp %mul3A_202 : vector<16xf32>
        %mul3A_204 = arith.constant 16 : i32
        %mul3A_205 = arith.muli %scan3A_193, %mul3A_204 : i32
        %swap3A_206 = arith.index_cast %mul3A_205 : i32 to index
        %swap3A_207 = tpu.vector_load %arg9[%swap3A_206] {strides = array<i32>} : memref<5120xf32, #tpu.memory_space<vmem>>, vector<16xf32>,
        %swap3A_208 = vector.shape_cast %swap3A_207 : vector<16xf32> to vector<16xf32>
        %swap3A_209 = vector.shape_cast %exp3A_203 : vector<16xf32> to vector<16xf32>
        tpu.vector_store %arg9[%swap3A_206], %swap3A_209 {strides = array<i32>} : memref<5120xf32, #tpu.memory_space<vmem>>, vector<16xf32>,
        %scan3A_210 = arith.constant 6 : i32
        %scan3A_211 = arith.addi %scan3A_106, %scan3A_210 : i32
        %mul3A_212 = arith.constant 16 : i32
        %mul3A_213 = arith.muli %scan3A_211, %mul3A_212 : i32
        %get3A_214 = arith.index_cast %mul3A_213 : i32 to index
        %get3A_215 = tpu.vector_load %arg9[%get3A_214] {strides = array<i32>} : memref<5120xf32, #tpu.memory_space<vmem>>, vector<16xf32>,
        %get3A_216 = vector.shape_cast %get3A_215 : vector<16xf32> to vector<16xf32>
        %sub3A_217 = arith.subf %get3A_216, %get3A_94 : vector<16xf32>
        %mul3A_218 = arith.constant 0.693147182 : f32
        %mul3A_219 = vector.broadcast %mul3A_218 : f32 to vector<16xf32>
        %mul3A_220 = arith.mulf %sub3A_217, %mul3A_219 : vector<16xf32>
        %exp3A_221 = math.exp %mul3A_220 : vector<16xf32>
        %mul3A_222 = arith.constant 16 : i32
        %mul3A_223 = arith.muli %scan3A_211, %mul3A_222 : i32
        %swap3A_224 = arith.index_cast %mul3A_223 : i32 to index
        %swap3A_225 = tpu.vector_load %arg9[%swap3A_224] {strides = array<i32>} : memref<5120xf32, #tpu.memory_space<vmem>>, vector<16xf32>,
        %swap3A_226 = vector.shape_cast %swap3A_225 : vector<16xf32> to vector<16xf32>
        %swap3A_227 = vector.shape_cast %exp3A_221 : vector<16xf32> to vector<16xf32>
        tpu.vector_store %arg9[%swap3A_224], %swap3A_227 {strides = array<i32>} : memref<5120xf32, #tpu.memory_space<vmem>>, vector<16xf32>,
        %scan3A_228 = arith.constant 7 : i32
        %scan3A_229 = arith.addi %scan3A_106, %scan3A_228 : i32
        %mul3A_230 = arith.constant 16 : i32
        %mul3A_231 = arith.muli %scan3A_229, %mul3A_230 : i32
        %get3A_232 = arith.index_cast %mul3A_231 : i32 to index
        %get3A_233 = tpu.vector_load %arg9[%get3A_232] {strides = array<i32>} : memref<5120xf32, #tpu.memory_space<vmem>>, vector<16xf32>,
        %get3A_234 = vector.shape_cast %get3A_233 : vector<16xf32> to vector<16xf32>
        %sub3A_235 = arith.subf %get3A_234, %get3A_94 : vector<16xf32>
        %mul3A_236 = arith.constant 0.693147182 : f32
        %mul3A_237 = vector.broadcast %mul3A_236 : f32 to vector<16xf32>
        %mul3A_238 = arith.mulf %sub3A_235, %mul3A_237 : vector<16xf32>
        %exp3A_239 = math.exp %mul3A_238 : vector<16xf32>
        %mul3A_240 = arith.constant 16 : i32
        %mul3A_241 = arith.muli %scan3A_229, %mul3A_240 : i32
        %swap3A_242 = arith.index_cast %mul3A_241 : i32 to index
        %swap3A_243 = tpu.vector_load %arg9[%swap3A_242] {strides = array<i32>} : memref<5120xf32, #tpu.memory_space<vmem>>, vector<16xf32>,
        %swap3A_244 = vector.shape_cast %swap3A_243 : vector<16xf32> to vector<16xf32>
        %swap3A_245 = vector.shape_cast %exp3A_239 : vector<16xf32> to vector<16xf32>
        tpu.vector_store %arg9[%swap3A_242], %swap3A_245 {strides = array<i32>} : memref<5120xf32, #tpu.memory_space<vmem>>, vector<16xf32>,
      }
      %scan3A_100 = arith.constant 320 : i32
      %mul3A_101 = arith.constant 5120 : i32
      %mul3A_102 = arith.muli %add3A_73, %mul3A_101 : i32
      %add3A_103 = arith.addi %mul3A_2, %mul3A_102 : i32
      %dma_start3A_104 = tpu.memref_slice %arg5[%add3A_103] : memref<3276800xf32, #tpu.memory_space<hbm>> -> memref<5120xf32, #tpu.memory_space<hbm>>
      %dma_start3A_105 = tpu.memref_slice %arg5[%add3A_103] : memref<3276800xf32, #tpu.memory_space<hbm>> -> memref<5120xf32, #tpu.memory_space<hbm>>
      tpu.enqueue_dma source(%arg9 : memref<5120xf32, #tpu.memory_space<vmem>>) target(%dma_start3A_105 : memref<5120xf32, #tpu.memory_space<hbm>>) target_semaphore(%arg19 : memref<!tpu.dma_semaphore, #tpu.memory_space<semaphore_mem>>)
    }
    %scan3A_27 = arith.constant 10 : i32
    %dma_wait3A_28 = arith.constant 0 : i32
    %dma_wait3A_29 = tpu.memref_slice %arg5[%dma_wait3A_28] : memref<3276800xf32, #tpu.memory_space<hbm>> -> memref<5120xf32, #tpu.memory_space<hbm>>
    %dma_wait3A_30 = arith.constant 0 : i32
    %dma_wait3A_31 = tpu.memref_slice %arg5[%dma_wait3A_30] : memref<3276800xf32, #tpu.memory_space<hbm>> -> memref<5120xf32, #tpu.memory_space<hbm>>
    tpu.wait_dma2 semaphore(%arg18 : memref<!tpu.dma_semaphore, #tpu.memory_space<semaphore_mem>>) src(%arg8 : memref<5120xf32, #tpu.memory_space<vmem>>) dst(%dma_wait3A_31 : memref<5120xf32, #tpu.memory_space<hbm>>)
    %dma_wait3A_32 = arith.constant 0 : i32
    %dma_wait3A_33 = tpu.memref_slice %arg5[%dma_wait3A_32] : memref<3276800xf32, #tpu.memory_space<hbm>> -> memref<5120xf32, #tpu.memory_space<hbm>>
    %dma_wait3A_34 = arith.constant 0 : i32
    %dma_wait3A_35 = tpu.memref_slice %arg5[%dma_wait3A_34] : memref<3276800xf32, #tpu.memory_space<hbm>> -> memref<5120xf32, #tpu.memory_space<hbm>>
    tpu.wait_dma2 semaphore(%arg19 : memref<!tpu.dma_semaphore, #tpu.memory_space<semaphore_mem>>) src(%arg9 : memref<5120xf32, #tpu.memory_space<vmem>>) dst(%dma_wait3A_35 : memref<5120xf32, #tpu.memory_space<hbm>>)
    return
  }
}

</mosaic_0001>

<sc_bundles>
// kernel: kernel.3.cloned.1.call-start
scs
__scs_entry_jumppad:
0x0: {  	(pc) =	sbr.rel $0x88, $3  }
0x1: {  	(tag) =	ssettag $0x0;
	lr =	simm.s32 $0x1  }
0x2: {  	[smem:$0x3F9E] =	sst lr;
	_ =	strace $0xD0000000  }
0x3: {  	_ = 	snop  }
0x4: {  	_ = 	snop  }
0x5: {  	_ = 	snop  }
0x6: {  	_ = 	snop  }
0x7: {  	_ = 	snop  }
__scs_overlays_trampoline_lowered:
0x8: {  	[smem:$0x3FAD] =	sst s0  }
0x9: {  	[smem:$0x3FAE] =	sst s1  }
0xa: {  	[smem:$0x3FAF] =	sst s2  }
0xb: {  	[smem:$0x3FB0] =	sst s3  }
0xc: {  	[smem:$0x3FB1] =	sst s4  }
0xd: {  	[smem:$0x3FB2] =	sst s5  }
0xe: {  	[smem:$0x3FB3] =	sst s6  }
0xf: {  	[smem:$0x3FB4] =	sst s7  }
0x10: {  	[smem:$0x3FB5] =	sst s8  }
0x11: {  	[smem:$0x3FB6] =	sst s9;
	s0 =	simm.s32 @!p0 $0x0  }
0x12: {  	s1 =	sld [smem:$0x3F9C];
	s0 =	simm.s32 @p0 $0x1  }
0x13: {  	[smem:$0x3FB7] =	sst s0;
	s0 =	simm.s32 @!p1 $0x0  }
0x14: {  	s2 =	sld [smem:$0x3F9B];
	s0 =	simm.s32 @p1 $0x1  }
0x15: {  	[smem:$0x3FB8] =	sst s0;
	s0 =	simm.s32 @!p2 $0x0  }
0x16: {  	s3 =	sld [smem:$0x3FDB];
	s0 =	simm.s32 @p2 $0x1  }
0x17: {  	s4 =	simm.s32 $0x1BF5;
	[smem:$0x3FBA] =	sst s0  }
0x18: {  	s0 =	sld [smem:$0x3F9D];
	_ =	swait.ge [sflag:s4], $0x0  }
0x19: {  	s7 =	sld [smem:$0x3F9E]  }
0x1a: {  	s8 =	sadd.s32 $0xFFFFE003, lr  }
0x1b: {  	s9 =	sadd.s32 $0xFFFFFEF7, lr;
	s5 =	simm.s32 $0xFFFFFFFF;
	p2 =	slt.u32 s8, $0xFFFFF086  }
0x1c: {  	p1 =	slt.u32 s9, $0xF7A;
	s5 =	simm.s32 @!p2 $0x0  }
0x1d: {  	s5 =	simm.s32 @p1 $0x1;
	p0 =	seq.s32 s7, s2  }
0x1e: {  	s7 =	smul.u32 @!p0 $0xF7A, s2;
	p2 =	seq.s32 @!p0 s5, $0x0  }
0x1f: {  	s9 =	smul.u32 $0xF7A, s1;
	s8 =	simm.s32 @!p0 $0x1BF5;
	p2 =	por !p2, p0  }
0x20: {  	[sflag:s8] =	ssyncset.s32 @!p0 $0xFFFFF086;
	s6 =	sadd.s32 @!p0 s3, s7;
	s7 =	simm.s32 @!p0 $0x108  }
0x21: {  	s3 =	sadd.s32 s3, s9;
	s6 =	sadd.s32 @!p0 $0x88, s6;
	s7 =	simm.s32 @p2 $0x1082  }
0x22: {  	[simem:s7], [sflag:s8] =	dma.local @!p0 [hbm:s6], $0xF7A  }
0x23: {  	s9 =	sor.u32 $0xD0000000, s2;
	s6 =	simm.s32 $0x108;
	_ =	swait.ge @!p0 [sflag:s8], $0x0  }
0x24: {  	s3 =	sadd.s32 $0x88, s3;
	s6 =	simm.s32 @!p1 $0x1082;
	[sflag:s4] =	ssyncset.s32 $0xFFFFF086  }
0x25: {  	[simem:s6], [sflag:s4] =	dma.local [hbm:s3], $0xF7A  }
0x26: {  	[smem:$0x3F9E] =	sst s1;
	(tag) =	ssettag s2;
	_ =	strace s9  }
0x27: {  	s1 =	sld [smem:$0x3FAE]  }
0x28: {  	s2 =	sld [smem:$0x3FAF]  }
0x29: {  	s4 =	sld [smem:$0x3FB1]  }
0x2a: {  	p0 =	seq.s32 s5, $0x0;
	s5 =	sld [smem:$0x3FB2]  }
0x2b: {  	s6 =	sld [smem:$0x3FB3]  }
0x2c: {  	s7 =	sld [smem:$0x3FB4]  }
0x2d: {  	s3 =	simm.s32 $0x108;
	s8 =	sld [smem:$0x3FB5]  }
0x2e: {  	s3 =	simm.s32 @!p0 $0x1082;
	s9 =	sld [smem:$0x3FB6]  }
0x2f: {  	lr =	sadd.s32 s0, s3;
	s0 =	sld [smem:$0x3FAD]  }
0x30: {  	s3 =	sld [smem:$0x3FB0]  }
0x31: {  	[smem:$0x3FB9] =	sst s10  }
0x32: {  	s10 =	sld [smem:$0x3FB7];
	_ =	sdelay $0x3  }
0x33: {  	p0 =	seq.s32 s10, $0x1;
	s10 =	sld [smem:$0x3FB9];
	_ =	sdelay $0x3  }
0x34: {  	[smem:$0x3FB9] =	sst s10  }
0x35: {  	s10 =	sld [smem:$0x3FB8];
	_ =	sdelay $0x3  }
0x36: {  	p1 =	seq.s32 s10, $0x1;
	s10 =	sld [smem:$0x3FB9];
	_ =	sdelay $0x3  }
0x37: {  	[smem:$0x3FB9] =	sst s10  }
0x38: {  	s10 =	sld [smem:$0x3FBA]  }
0x39: {  	_ = 	snop;
	(pc) =	sbr.ind lr, $3  }
0x3a: {  	_ = 	snop  }
0x3b: {  	_ = 	snop  }
0x3c: {  	p2 =	seq.s32 s10, $0x1;
	s10 =	sld [smem:$0x3FB9]  }
0x3d: {  	_ =	shalt  }
0x3e: {  	_ =	shalt  }
0x3f: {  	_ =	shalt  }
0x40: {  	_ =	shalt  }
0x41: {  	_ =	shalt  }
0x42: {  	_ =	shalt  }
0x43: {  	_ =	shalt  }
0x44: {  	_ =	shalt  }
0x45: {  	_ =	shalt  }
0x46: {  	_ =	shalt  }
0x47: {  	_ =	shalt  }
0x48: {  	_ =	shalt  }
0x49: {  	_ =	shalt  }
0x4a: {  	_ =	shalt  }
0x4b: {  	_ =	shalt  }
0x4c: {  	_ =	shalt  }
0x4d: {  	_ =	shalt  }
0x4e: {  	_ =	shalt  }
0x4f: {  	_ =	shalt  }
0x50: {  	_ =	shalt  }
0x51: {  	_ =	shalt  }
0x52: {  	_ =	shalt  }
0x53: {  	_ =	shalt  }
0x54: {  	_ =	shalt  }
0x55: {  	_ =	shalt  }
0x56: {  	_ =	shalt  }
0x57: {  	_ =	shalt  }
0x58: {  	_ =	shalt  }
0x59: {  	_ =	shalt  }
0x5a: {  	_ =	shalt  }
0x5b: {  	_ =	shalt  }
0x5c: {  	_ =	shalt  }
0x5d: {  	_ =	shalt  }
0x5e: {  	_ =	shalt  }
0x5f: {  	_ =	shalt  }
0x60: {  	_ =	shalt  }
0x61: {  	_ =	shalt  }
0x62: {  	_ =	shalt  }
0x63: {  	_ =	shalt  }
0x64: {  	_ =	shalt  }
0x65: {  	_ =	shalt  }
0x66: {  	_ =	shalt  }
0x67: {  	_ =	shalt  }
0x68: {  	_ =	shalt  }
0x69: {  	_ =	shalt  }
0x6a: {  	_ =	shalt  }
0x6b: {  	_ =	shalt  }
0x6c: {  	_ =	shalt  }
0x6d: {  	_ =	shalt  }
0x6e: {  	_ =	shalt  }
0x6f: {  	_ =	shalt  }
0x70: {  	_ =	shalt  }
0x71: {  	_ =	shalt  }
0x72: {  	_ =	shalt  }
0x73: {  	_ =	shalt  }
0x74: {  	_ =	shalt  }
0x75: {  	_ =	shalt  }
0x76: {  	_ =	shalt  }
0x77: {  	_ =	shalt  }
0x78: {  	_ =	shalt  }
0x79: {  	_ =	shalt  }
0x7a: {  	_ =	shalt  }
0x7b: {  	_ =	shalt  }
0x7c: {  	_ =	shalt  }
0x7d: {  	_ =	shalt  }
0x7e: {  	_ =	shalt  }
0x7f: {  	_ =	shalt  }
0x80: {  	_ =	shalt  }
0x81: {  	_ =	shalt  }
0x82: {  	_ =	shalt  }
0x83: {  	_ =	shalt  }
0x84: {  	_ =	shalt  }
0x85: {  	_ =	shalt  }
0x86: {  	_ =	shalt  }
0x87: {  	_ =	shalt  }
.Lfunc_end0:
.L_simem_size_0:
called_computation_lowered:
.L_overlay_start_0:
0x88: {  	s2 =	sld [smem:$0x3FD9]  }
0x89: {  	s3 =	sld [smem:$0x3FFE];
	_ =	sdelay $0x1  }
0x8a: {  	s1 =	srdreg.scid  }
0x8b: {  	s0 =	sand.u32 $0x1, s1  }
0x8c: {  	s17 =	sshll.u32 s0, $0xA;
	s2 =	sadd.s32 s3, s2  }
0x8d: {  	s2 =	sadd.s32 s2, s17  }
0x8e: {  	[smem:$0x3FC5] =	sst s2  }
0x8f: {  	_ = 	snop  }
0x90: {  	s2 =	sld [smem:$0x3FD0];
	(tm) =	ssettm $0x1  }
0x91: {  	s18 =	sld [smem:$0x3FFB];
	_ =	sdelay $0x3  }
0x92: {  	_ =	strace s18  }
0x93: {  	s3 =	sld [smem:$0x3FFC];
	_ =	sdelay $0x3  }
0x94: {  	_ =	strace s3  }
0x95: {  	s3 =	sld [smem:$0x3FFD];
	_ =	sdelay $0x3  }
0x96: {  	_ =	strace s3  }
0x97: {  	_ =	strace $0x8FFFFFFF  }
0x98: {  	s19 =	sld [smem:$0x3FDB];
	_ =	sdelay $0x1  }
0x99: {  	s4 =	simm.s32 $_scs_section_size  }
0x9a: {  	s5 =	simm.s32 $_size__tile_overlayer_lowered;
	s6 =	simm.s32 $_tile_overlayer_lowered  }
0x9b: {  	s22 =	simm.s32 $0x1BFF;
	s21 =	sshll.u32 s6, $0x1;
	s3 =	sadd.s32 s4, s19  }
0x9c: {  	s7 =	simm.s32 $0x0;
	s20 =	sshll.u32 s5, $0x1;
	s5 =	sadd.s32 s21, s3  }
0x9d: {  	[timem:s7], [sflag:s22] =	dma.local [hbm:s5], s20  }
0x9e: {  	_ =	swait.ge [sflag:s22], s20  }
0x9f: {  	s4 =	ssub.s32 $0x0, s20;
	[sflag:s22] =	ssyncset.done $0x0  }
0xa0: {  	[sflag:s22] =	ssyncadd.s32 s4;
	_ =	sdelay $0x1  }
0xa1: {  	s23 =	simm.s32 $0x1B8B  }
0xa2: {  	_ =	swait.ge [sflag:s23], $0x1  }
0xa3: {  	[sflag:s23] =	ssyncset.done $0x0  }
0xa4: {  	s25 =	simm.s32 $0x1B8E;
	s24 =	sld [smem:$0x3FFE];
	[sflag:s23] =	ssyncadd.s32 $0xFFFFFFFF  }
0xa5: {  	s26 =	simm.s32 $execute0_lowered;
	[smem:$0x3FD2] =	sst s25  }
0xa6: {  	s5 =	sshll.u32 s26, $0x1;
	_ =	strace $0x80000046;
	[dreg:$0x1] =	wrdreg $0xFFFFFFFF  }
0xa7: {  	s28 =	simm.s32 $_size_execute0_lowered;
	s3 =	sadd.s32 s3, s5;
	[dreg:$0x0] =	wrdreg $0x0  }
0xa8: {  	s5 =	sshll.u32 s28, $0x1;
	[dreg:$0x2] =	wrdreg s3  }
0xa9: {  	[dreg:$0x3] =	wrdreg s5  }
0xaa: {  	[dreg:$0x4] =	wrdreg $0xC0  }
0xab: {  	_ =	task [dreg:s7], $0x5FFFF  }
0xac: {  	[dreg:$0x1] =	wrdreg $0xFFFFFFFF  }
0xad: {  	[dreg:$0x0] =	wrdreg $0x60  }
0xae: {  	[dreg:$0x2] =	wrdreg s24  }
0xaf: {  	[dreg:$0x3] =	wrdreg s2  }
0xb0: {  	[dreg:$0x4] =	wrdreg $0x51000  }
0xb1: {  	[dreg:$0x5] =	wrdreg $0x9  }
0xb2: {  	_ =	task.clear_ibuf [dreg:s7], $0x6FFFF;
	_ =	strace $0x90000046  }
0xb3: {  	s29 =	simm.s32 $0x9;
	_ =	strace $0x80000048  }
0xb4: {  	_ =	swait.ge [sflag:s29], $0x1  }
0xb5: {  	[sflag:s29] =	ssyncadd.s32 $0xFFFFFFFF  }
0xb6: {  	_ =	strace $0x90000048  }
0xb7: {  	_ =	sfence  }
0xb8: {  	s30 =	sld [smem:$0x0];
	_ =	sdelay $0x2  }
0xb9: {  	s31 =	sshll.u32 s1, $0xD;
	s1 =	sshrl.u32 s1, $0x2  }
0xba: {  	s3 =	sand.u32 $0x4000, s31;
	s1 =	sadd.s32 s1, s30  }
0xbb: {  	s0 =	sor.u32 s3, s0;
	s1 =	sshll.u32 s1, $0x11  }
0xbc: {  	s0 =	sor.u32 s1, s0  }
0xbd: {  	s0 =	sadd.s32 $0x8F2B, s0  }
0xbe: {  	[sflag:s0] =	ssyncadd.remote.s32 $0x1  }
0xbf: {  	_ =	sfence.sel $0xFFFF  }
0xc0: {  	[dreg:$0x0] =	wrdreg $0xFFFFFFFF;
	(pc) =	sbr.abs _section_cstart, $3  }
0xc1: {  	[dreg:$0x1] =	wrdreg $0xFFFFFFFF  }
0xc2: {  	_ =	task.clear_ibuf [dreg:s7], $0x2FFFF;
	_ =	strace $0x9FFFFFFF  }
0xc3: {  	(tm) =	ssettm $0x7FFFFFFF  }
tec
execute0_lowered:
.L_overlay_start_1:
0x0: {  	(tag) =	ssettag $0x1  }
0x1: {  	s0 =	rddreg [dreg:$0x0]  }
0x2: {  	s2 =	rddreg [dreg:$0x1]  }
0x3: {  	s3 =	rddreg [dreg:$0x2]  }
0x4: {  	s1 =	srdreg.scid;
	s11 =	stileid.u32  }
0x5: {  	s4 =	simm.s32 $0x0;
	s30 =	simm.s32 $0x1;
	s29 =	simm.s32 $0x4  }
0x6: {  	s31 =	simm.s32 $0x4E00;
	s1 =	sand.u32 $0x1, s1;
	s5 =	sshll.u32 s11, $0x1  }
0x7: {  	[smem:$0x7FF] =	sst s4;
	s14 =	sadd.s32 $0x200, s0;
	s6 =	sadd.s32 $0x1EC00, s0  }
0x8: {  	s8 =	sadd.s32 $0x1EE00, s0;
	s26 =	smul.u32 $0x1E848, s11;
	p0 =	sgt.u32 s11, $0x7  }
0x9: {  	s5 =	sor.u32 s1, s5;
	_ =	strace $0x80000047;
	[dreg:$0x5] =	wrdreg s6  }
0xa: {  	s1 =	ssub.s32 $0x2, s1;
	[dreg:$0x4] =	wrdreg s14;
	s5 =	smul.u32 $0x19000, s5  }
0xb: {  	s25 =	sshrl.u32 s1, $0x1;
	s16 =	sadd.s32 $0x61A8, s26;
	s17 =	sadd.s32 s26, s3  }
0xc: {  	s19 =	sadd.s32 $0xC350, s26;
	s21 =	sadd.s32 $0x124F8, s26;
	s22 =	sadd.s32 $0x186A0, s26  }
0xd: {  	s0 =	ssub.s32 s1, s25;
	[dreg:$0xa] =	wrdreg s17;
	s18 =	sshrl.u32 s16, $0x3  }
0xe: {  	s20 =	sshrl.u32 s19, $0x3;
	s23 =	sadd.s32 s19, s3;
	s24 =	sshrl.u32 s21, $0x3  }
0xf: {  	s25 =	sshrl.u32 s22, $0x3;
	s17 =	simm.s32 $0x4200;
	s19 =	simm.s32 $0x4400  }
0x10: {  	s9 =	sadd.s32 $0x1400, s5;
	s7 =	sshrl.u32 s5, $0x3;
	s12 =	sadd.s32 $0x2800, s5  }
0x11: {  	s13 =	sadd.s32 $0x3C00, s5;
	s0 =	smax.u32 s0, $0x1;
	s1 =	sadd.s32 s14, s18  }
0x12: {  	[dreg:$0xe] =	wrdreg s23;
	s6 =	sadd.s32 s14, s24;
	s18 =	simm.s32 $0x1C00  }
0x13: {  	s23 =	simm.s32 $0x2200;
	s24 =	simm.s32 $0x4A00;
	[dreg:$0x8] =	wrdreg s0  }
0x14: {  	s10 =	sshrl.u32 s9, $0x3;
	s28 =	sadd.s32 s2, s7;
	[dreg:$0xb] =	wrdreg s1  }
0x15: {  	s0 =	sadd.s32 s16, s3;
	[dreg:$0xf] =	wrdreg s6;
	s1 =	simm.s32 $0x200  }
0x16: {  	s6 =	simm.s32 $0x2400;
	[dreg:$0x6] =	wrdreg s28;
	s7 =	sadd.s32 s2, s10  }
0x17: {  	s10 =	sshrl.u32 s26, $0x3;
	[dreg:$0xc] =	wrdreg s0;
	s0 =	sadd.s32 s14, s20  }
0x18: {  	s26 =	sadd.s32 s14, s25;
	s28 =	sadd.s32 s22, s3;
	[dreg:$0x7] =	wrdreg s7  }
0x19: {  	s25 =	simm.s32 $0x1E00;
	s20 =	simm.s32 $0x4600;
	[dreg:$0xd] =	wrdreg s0  }
0x1a: {  	s22 =	simm.s32 $0x4800;
	s15 =	sadd.s32 s14, s10;
	[dreg:$0x11] =	wrdreg s26  }
0x1b: {  	s0 =	sadd.s32 s21, s3;
	[dreg:$0x12] =	wrdreg s28;
	s7 =	simm.s32 $0x3C00  }
0x1c: {  	s21 =	simm.s32 $0x2000;
	s26 =	simm.s32 $0x4C00;
	[dreg:$0x9] =	wrdreg s15  }
0x1d: {  	s14 =	simm.s32 $0x0;
	[dreg:$0x10] =	wrdreg s0;
	s0 =	simm.s32 $0x2600  }
.LBB2_1:
0x1e: {  	[dreg:$0x13] =	wrdreg s14  }
0x1f: {  	s10 =	simm.s32 @!p0 $0x0;
	s11 =	simm.s32 @!p0 $0x14528;
	s14 =	rddreg [dreg:$0x9]  }
0x20: {  	[tilespmem:s11], [sflag:$0x7] =	stream.linear.gather @!p0 [hbm4b:s14+s10], $0x61A8, $0x38;
	[tilespmem:$0x1A728] =	vst v63  }
0x21: {  	s14 =	simm.s32 @!p0 $0x7  }
0x22: {  	_ =	swait.ge @!p0 [sflag:s14], $0x61A8  }
0x23: {  	[sflag:s14] =	ssyncset.done @!p0 $0x0  }
0x24: {  	s15 =	rddreg [dreg:$0xa];
	[sflag:s14] =	ssyncadd.s32 @!p0 $0xFFFF9E58  }
0x25: {  	[spmem:s15] =	stream.linear.scatter @!p0 [tilespmem:s11], [sflag:$0x7], $0x61A8, $0x38;
	[tilespmem:$0x1A728] =	vst v63  }
0x26: {  	_ =	swait.ge @!p0 [sflag:s14], $0x61A8  }
0x27: {  	[sflag:s14] =	ssyncset.done @!p0 $0x0  }
0x28: {  	s15 =	rddreg [dreg:$0xb];
	[sflag:s14] =	ssyncadd.s32 @!p0 $0xFFFF9E58  }
0x29: {  	[tilespmem:s11], [sflag:$0x7] =	stream.linear.gather @!p0 [hbm4b:s15+s10], $0x61A8, $0x38;
	[tilespmem:$0x1A728] =	vst v63  }
0x2a: {  	_ =	swait.ge @!p0 [sflag:s14], $0x61A8  }
0x2b: {  	[sflag:s14] =	ssyncset.done @!p0 $0x0  }
0x2c: {  	s15 =	rddreg [dreg:$0xc];
	[sflag:s14] =	ssyncadd.s32 @!p0 $0xFFFF9E58  }
0x2d: {  	[spmem:s15] =	stream.linear.scatter @!p0 [tilespmem:s11], [sflag:$0x7], $0x61A8, $0x38;
	[tilespmem:$0x1A728] =	vst v63  }
0x2e: {  	_ =	swait.ge @!p0 [sflag:s14], $0x61A8  }
0x2f: {  	[sflag:s14] =	ssyncset.done @!p0 $0x0  }
0x30: {  	s15 =	rddreg [dreg:$0xd];
	[sflag:s14] =	ssyncadd.s32 @!p0 $0xFFFF9E58  }
0x31: {  	[tilespmem:s11], [sflag:$0x7] =	stream.linear.gather @!p0 [hbm4b:s15+s10], $0x61A8, $0x38;
	[tilespmem:$0x1A728] =	vst v63  }
0x32: {  	_ =	swait.ge @!p0 [sflag:s14], $0x61A8  }
0x33: {  	[sflag:s14] =	ssyncset.done @!p0 $0x0  }
0x34: {  	s15 =	rddreg [dreg:$0xe];
	[sflag:s14] =	ssyncadd.s32 @!p0 $0xFFFF9E58  }
0x35: {  	[spmem:s15] =	stream.linear.scatter @!p0 [tilespmem:s11], [sflag:$0x7], $0x61A8, $0x38;
	[tilespmem:$0x1A728] =	vst v63  }
0x36: {  	_ =	swait.ge @!p0 [sflag:s14], $0x61A8  }
0x37: {  	[sflag:s14] =	ssyncset.done @!p0 $0x0  }
0x38: {  	s15 =	rddreg [dreg:$0xf];
	[sflag:s14] =	ssyncadd.s32 @!p0 $0xFFFF9E58  }
0x39: {  	[tilespmem:s11], [sflag:$0x7] =	stream.linear.gather @!p0 [hbm4b:s15+s10], $0x61A8, $0x38;
	[tilespmem:$0x1A728] =	vst v63  }
0x3a: {  	_ =	swait.ge @!p0 [sflag:s14], $0x61A8  }
0x3b: {  	[sflag:s14] =	ssyncset.done @!p0 $0x0  }
0x3c: {  	s15 =	rddreg [dreg:$0x10];
	[sflag:s14] =	ssyncadd.s32 @!p0 $0xFFFF9E58  }
0x3d: {  	[spmem:s15] =	stream.linear.scatter @!p0 [tilespmem:s11], [sflag:$0x7], $0x61A8, $0x38;
	[tilespmem:$0x1A728] =	vst v63  }
0x3e: {  	_ =	swait.ge @!p0 [sflag:s14], $0x61A8  }
0x3f: {  	[sflag:s14] =	ssyncset.done @!p0 $0x0  }
0x40: {  	s15 =	rddreg [dreg:$0x11];
	[sflag:s14] =	ssyncadd.s32 @!p0 $0xFFFF9E58  }
0x41: {  	[tilespmem:s11], [sflag:$0x7] =	stream.linear.gather @!p0 [hbm4b:s15+s10], $0x61A8, $0x38;
	[tilespmem:$0x1A728] =	vst v63  }
0x42: {  	_ =	swait.ge @!p0 [sflag:s14], $0x61A8  }
0x43: {  	[sflag:s14] =	ssyncset.done @!p0 $0x0  }
0x44: {  	s10 =	rddreg [dreg:$0x12];
	[sflag:s14] =	ssyncadd.s32 @!p0 $0xFFFF9E58  }
0x45: {  	[spmem:s10] =	stream.linear.scatter @!p0 [tilespmem:s11], [sflag:$0x7], $0x61A8, $0x38;
	[tilespmem:$0x1A728] =	vst v63  }
0x46: {  	_ =	swait.ge @!p0 [sflag:s14], $0x61A8  }
0x47: {  	s16 =	simm.s32 $0x7;
	[sflag:s14] =	ssyncset.done @!p0 $0x0  }
0x48: {  	s11 =	simm.s32 $0x5000;
	s15 =	rddreg [dreg:$0x5];
	[sflag:s14] =	ssyncadd.s32 @!p0 $0xFFFF9E58  }
0x49: {  	[tilespmem:s11], [sflag:$0x7] =	stream.linear.gather [hbm4b:s15+s4], $0x80, $0x38;
	[tilespmem:$0x1A728] =	vst v63  }
0x4a: {  	_ =	swait.ge [sflag:s16], $0x80  }
0x4b: {  	s15 =	simm.s32 $0x10;
	[sflag:s16] =	ssyncset.done $0x0  }
0x4c: {  	s14 =	rddreg [dreg:$0x4];
	[sflag:s16] =	ssyncadd.s32 $0xFFFFFF80;
	s16 =	simm.s32 $0x5080  }
0x4d: {  	[tilespmem:s16], [sflag:$0x1] =	stream.indirect.gather [hbm4b:s14+s15], $0x1, s11, s15, $0xb8;
	[tilespmem:$0x1A728] =	vst v63  }
0x4e: {  	_ =	swait.ge [sflag:s30], $0x10  }
0x4f: {  	[sflag:s30] =	ssyncset.done $0x0  }
0x50: {  	[sflag:s30] =	ssyncadd.s32 $0xFFFFFFF0  }
0x51: {  	[bflag:$0x0] =	sbarrier.arrive $0xFFFF  }
0x52: {  	s14 =	rddreg [dreg:$0x6]  }
0x53: {  	[tilespmem:s4], [sflag:$0x3] =	stream.linear.gather [hbm4b:s14+s4], $0x1400, $0x38;
	[tilespmem:$0x1A728] =	vst v63  }
0x54: {  	s16 =	simm.s32 $0x1400;
	s15 =	rddreg [dreg:$0x7];
	s14 =	simm.s32 $0x3  }
0x55: {  	[tilespmem:s16], [sflag:$0x4] =	stream.linear.gather [hbm4b:s15+s4], $0x1400, $0x38;
	[tilespmem:$0x1A728] =	vst v63  }
0x56: {  	_ =	swait.ge [sflag:s14], $0x1400  }
0x57: {  	[sflag:s14] =	ssyncset.done $0x0  }
0x58: {  	s15 =	simm.s32 $0x2800;
	[sflag:s14] =	ssyncadd.s32 $0xFFFFEC00  }
0x59: {  	[tilespmem:s15], [sflag:$0x1] =	stream.indirect.gather [spmem:s3], $0x1, s4, s1, $0xb8;
	[tilespmem:$0x1A728] =	vst v63  }
0x5a: {  	s16 =	simm.s32 $0x2A00  }
0x5b: {  	[tilespmem:s16], [sflag:$0x1] =	stream.indirect.gather [spmem:s3], $0x1, s1, s1, $0xb8;
	[tilespmem:$0x1A728] =	vst v63  }
0x5c: {  	s11 =	simm.s32 $0x400;
	s14 =	simm.s32 $0x2C00  }
0x5d: {  	[tilespmem:s14], [sflag:$0x1] =	stream.indirect.gather [spmem:s3], $0x1, s11, s1, $0xb8;
	[tilespmem:$0x1A728] =	vst v63  }
0x5e: {  	s15 =	simm.s32 $0x600;
	s16 =	simm.s32 $0x2E00  }
0x5f: {  	[tilespmem:s16], [sflag:$0x1] =	stream.indirect.gather [spmem:s3], $0x1, s15, s1, $0xb8;
	[tilespmem:$0x1A728] =	vst v63  }
0x60: {  	s11 =	simm.s32 $0x800;
	s14 =	simm.s32 $0x3000  }
0x61: {  	[tilespmem:s14], [sflag:$0x1] =	stream.indirect.gather [spmem:s3], $0x1, s11, s1, $0xb8;
	[tilespmem:$0x1A728] =	vst v63  }
0x62: {  	s15 =	simm.s32 $0xA00;
	s16 =	simm.s32 $0x3200  }
0x63: {  	[tilespmem:s16], [sflag:$0x1] =	stream.indirect.gather [spmem:s3], $0x1, s15, s1, $0xb8;
	[tilespmem:$0x1A728] =	vst v63  }
0x64: {  	s11 =	simm.s32 $0xC00;
	s14 =	simm.s32 $0x3400  }
0x65: {  	[tilespmem:s14], [sflag:$0x1] =	stream.indirect.gather [spmem:s3], $0x1, s11, s1, $0xb8;
	[tilespmem:$0x1A728] =	vst v63  }
0x66: {  	s15 =	simm.s32 $0xE00;
	s16 =	simm.s32 $0x3600  }
0x67: {  	[tilespmem:s16], [sflag:$0x1] =	stream.indirect.gather [spmem:s3], $0x1, s15, s1, $0xb8;
	[tilespmem:$0x1A728] =	vst v63  }
0x68: {  	s11 =	simm.s32 $0x1000;
	s14 =	simm.s32 $0x3800  }
0x69: {  	[tilespmem:s14], [sflag:$0x1] =	stream.indirect.gather [spmem:s3], $0x1, s11, s1, $0xb8;
	[tilespmem:$0x1A728] =	vst v63  }
0x6a: {  	s28 =	simm.s32 $0x0;
	s15 =	simm.s32 $0x1200;
	s16 =	simm.s32 $0x3A00  }
0x6b: {  	[tilespmem:s16], [sflag:$0x1] =	stream.indirect.gather [spmem:s3], $0x1, s15, s1, $0xb8;
	[tilespmem:$0x1A728] =	vst v63  }
.LBB2_2:
0x6c: {  	_ =	swait.ge [sflag:s29], $0x1400  }
0x6d: {  	p1 =	seq.s32 s28, $0x0;
	[sflag:s29] =	ssyncset.done $0x0  }
0x6e: {  	s10 =	simm.s32 @!p1 $0x6;
	[sflag:s29] =	ssyncadd.s32 $0xFFFFEC00  }
0x6f: {  	_ =	swait.ge @!p1 [sflag:s10], $0x1400  }
0x70: {  	[sflag:s10] =	ssyncset.done @!p1 $0x0  }
0x71: {  	s15 =	simm.s32 $0x1400;
	[sflag:s10] =	ssyncadd.s32 @!p1 $0xFFFFEC00  }
0x72: {  	[tilespmem:s7], [sflag:$0x2] =	stream.indirect.gather [spmem:s3], $0x1, s15, s1, $0xb8;
	[tilespmem:$0x1A728] =	vst v63  }
0x73: {  	s16 =	simm.s32 $0x1600;
	s11 =	simm.s32 $0x3E00  }
0x74: {  	[tilespmem:s11], [sflag:$0x2] =	stream.indirect.gather [spmem:s3], $0x1, s16, s1, $0xb8;
	[tilespmem:$0x1A728] =	vst v63  }
0x75: {  	s14 =	simm.s32 $0x1800;
	s15 =	simm.s32 $0x4000  }
0x76: {  	[tilespmem:s15], [sflag:$0x2] =	stream.indirect.gather [spmem:s3], $0x1, s14, s1, $0xb8;
	[tilespmem:$0x1A728] =	vst v63  }
0x77: {  	s16 =	simm.s32 $0x1A00  }
0x78: {  	[tilespmem:s17], [sflag:$0x2] =	stream.indirect.gather [spmem:s3], $0x1, s16, s1, $0xb8;
	[tilespmem:$0x1A728] =	vst v63  }
0x79: {  	_ = 	snop  }
0x7a: {  	[tilespmem:s19], [sflag:$0x2] =	stream.indirect.gather [spmem:s3], $0x1, s18, s1, $0xb8;
	[tilespmem:$0x1A728] =	vst v63  }
0x7b: {  	_ = 	snop  }
0x7c: {  	[tilespmem:s20], [sflag:$0x2] =	stream.indirect.gather [spmem:s3], $0x1, s25, s1, $0xb8;
	[tilespmem:$0x1A728] =	vst v63  }
0x7d: {  	_ = 	snop  }
0x7e: {  	[tilespmem:s22], [sflag:$0x2] =	stream.indirect.gather [spmem:s3], $0x1, s21, s1, $0xb8;
	[tilespmem:$0x1A728] =	vst v63  }
0x7f: {  	_ = 	snop  }
0x80: {  	[tilespmem:s24], [sflag:$0x2] =	stream.indirect.gather [spmem:s3], $0x1, s23, s1, $0xb8;
	[tilespmem:$0x1A728] =	vst v63  }
0x81: {  	p1 =	seq.s32 s28, $0x9  }
0x82: {  	[tilespmem:s26], [sflag:$0x2] =	stream.indirect.gather [spmem:s3], $0x1, s6, s1, $0xb8;
	[tilespmem:$0x1A728] =	vst v63  }
0x83: {  	s10 =	smul.u32 @!p1 $0x2800, s28  }
0x84: {  	[tilespmem:s31], [sflag:$0x2] =	stream.indirect.gather [spmem:s3], $0x1, s0, s1, $0xb8;
	[tilespmem:$0x1A728] =	vst v63  }
0x85: {  	s10 =	sadd.s32 @!p1 s10, s12;
	_ =	swait.ge [sflag:s30], $0x1400  }
0x86: {  	s10 =	sshrl.u32 @!p1 s10, $0x3;
	[sflag:s30] =	ssyncset.done $0x0  }
0x87: {  	s11 =	simm.s32 @!p1 $0x0;
	s10 =	sadd.s32 @!p1 s2, s10;
	[sflag:s30] =	ssyncadd.s32 $0xFFFFEC00  }
0x88: {  	[tilespmem:s11], [sflag:$0x3] =	stream.linear.gather @!p1 [hbm4b:s10+s11], $0x1400, $0x38;
	[tilespmem:$0x1A728] =	vst v63  }
0x89: {  	s11 =	simm.s32 $0x2840;
	v0 =	vld [tilespmem:$0x5080]  }
0x8a: {  	v1 =	vld [tilespmem:s11+$0xFFFFFFE0];
	_ =	sdelay $0x1  }
0x8b: {  	v2 =	vld [tilespmem:s11+$0xFFFFFFF0];
	_ =	sdelay $0x2  }
0x8c: {  	v3 =	vld [tilespmem:s11+$0x0];
	v1 =	vsub.f32 v1, v0;
	_ =	sdelay $0x1  }
0x8d: {  	v2 =	vsub.f32 v2, v0;
	v1 =	vmul.f32 $6.931471820e-01, v1;
	_ =	sdelay $0x1  }
0x8e: {  	v4 =	vld [tilespmem:s11+$0x30];
	v2 =	vmul.f32 $6.931471820e-01, v2;
	v1 =	vmul.f32 $1.442695020e+00, v1  }
0x8f: {  	v5 =	vld [tilespmem:s11+$0xFFFFFFC0];
	v3 =	vsub.f32 v3, v0  }
0x90: {  	(erf) = vpow2.f32 v1;
	v1 =	vmul.f32 $1.442695020e+00, v2  }
0x91: {  	v6 =	vld [tilespmem:s11+$0x20];
	v3 =	vmul.f32 $6.931471820e-01, v3  }
0x92: {  	v7 =	vld [tilespmem:s11+$0xFFFFFFD0];
	(erf) = vpow2.f32 v1  }
0x93: {  	v4 =	vsub.f32 v4, v0;
	v3 =	vmul.f32 $1.442695020e+00, v3  }
0x94: {  	v2 =	vsub.f32 v5, v0;
	v1 =	vld [tilespmem:s11+$0x10]  }
0x95: {  	v4 =	vmul.f32 $6.931471820e-01, v4;
	(erf) = vpow2.f32 v3  }
0x96: {  	v6 =	vsub.f32 v6, v0;
	v2 =	vmul.f32 $6.931471820e-01, v2  }
0x97: {  	v5 =	vsub.f32 v7, v0;
	v3 =	vmul.f32 $1.442695020e+00, v4  }
0x98: {  	s14 =	simm.s32 $0x28C0;
	s10 =	simm.s32 $0x0;
	v4 =	vmul.f32 $6.931471820e-01, v6;
	v2 =	vmul.f32 $1.442695020e+00, v2  }
.LBB2_3:
0x99: {  	s10 =	sadd.s32 $0x8, s10;
	v7 =	vmul.f32 $6.931471820e-01, v5;
	v1 =	vsub.f32 v1, v0;
	v6 =	vpop (erf);
	(erf) = vpow2.f32 v3  }
0x9a: {  	p1 =	slt.u32 s10, $0x138;
	[tilespmem:s11+$0xFFFFFFE0] =	vst v6;
	v3 =	vmul.f32 $1.442695020e+00, v4;
	(erf) = vpow2.f32 v2  }
0x9b: {  	v2 =	vld [tilespmem:s14+$0xFFFFFFE0];
	v6 =	vmul.f32 $1.442695020e+00, v7;
	v1 =	vmul.f32 $6.931471820e-01, v1;
	v5 =	vpop (erf)  }
0x9c: {  	[tilespmem:s11+$0xFFFFFFF0] =	vst v5;
	(erf) = vpow2.f32 v3  }
0x9d: {  	v3 =	vld [tilespmem:s14+$0xFFFFFFF0];
	v1 =	vmul.f32 $1.442695020e+00, v1;
	(erf) = vpow2.f32 v6  }
0x9e: {  	v4 =	vpop (erf)  }
0x9f: {  	[tilespmem:s11+$0x0] =	vst v4;
	(erf) = vpow2.f32 v1  }
0xa0: {  	v1 =	vsub.f32 v2, v0;
	v2 =	vld [tilespmem:s14+$0x0];
	_ =	sdelay $0x1  }
0xa1: {  	v1 =	vmul.f32 $6.931471820e-01, v1;
	v3 =	vsub.f32 v3, v0;
	v4 =	vpop (erf)  }
0xa2: {  	[tilespmem:s11+$0x30] =	vst v4;
	v4 =	vpop (erf)  }
0xa3: {  	v7 =	vmul.f32 $1.442695020e+00, v1;
	v3 =	vmul.f32 $6.931471820e-01, v3;
	v5 =	vld [tilespmem:s14+$0x30];
	[tilespmem:s11+$0xFFFFFFC0] =	vst v4  }
0xa4: {  	v4 =	vld [tilespmem:s14+$0xFFFFFFC0];
	v2 =	vsub.f32 v2, v0;
	v6 =	vpop (erf)  }
0xa5: {  	v3 =	vmul.f32 $1.442695020e+00, v3;
	(erf) = vpow2.f32 v7;
	[tilespmem:s11+$0x20] =	vst v6;
	v1 =	vpop (erf)  }
0xa6: {  	v2 =	vmul.f32 $6.931471820e-01, v2;
	v6 =	vld [tilespmem:s14+$0x20];
	[tilespmem:s11+$0xFFFFFFD0] =	vst v1  }
0xa7: {  	v7 =	vld [tilespmem:s14+$0xFFFFFFD0];
	(erf) = vpow2.f32 v3;
	v1 =	vpop (erf)  }
0xa8: {  	v2 =	vmul.f32 $1.442695020e+00, v2;
	v3 =	vsub.f32 v5, v0;
	[tilespmem:s11+$0x10] =	vst v1;
	s11 =	smov.u32 s14  }
.Ltmp0:
0xa9: {  	v4 =	vsub.f32 v4, v0;
	v1 =	vld [tilespmem:s14+$0x10];
	(pc) =	sbr.rel @p1 .LBB2_3-.Ltmp0, $4  }
0xaa: {  	v3 =	vmul.f32 $6.931471820e-01, v3;
	(erf) = vpow2.f32 v2  }
0xab: {  	v2 =	vmul.f32 $6.931471820e-01, v4;
	v4 =	vsub.f32 v6, v0  }
0xac: {  	v5 =	vsub.f32 v7, v0;
	v3 =	vmul.f32 $1.442695020e+00, v3  }
0xad: {  	s14 =	sadd.s32 $0x80, s14;
	v2 =	vmul.f32 $1.442695020e+00, v2;
	v4 =	vmul.f32 $6.931471820e-01, v4  }
0xae: {  	v0 =	vsub.f32 v1, v0  }
0xaf: {  	v1 =	vmul.f32 $6.931471820e-01, v5;
	(erf) = vpow2.f32 v3  }
0xb0: {  	v3 =	vmul.f32 $1.442695020e+00, v4;
	v0 =	vmul.f32 $6.931471820e-01, v0  }
0xb1: {  	(erf) = vpow2.f32 v2;
	v1 =	vmul.f32 $1.442695020e+00, v1  }
0xb2: {  	(erf) = vpow2.f32 v3;
	v0 =	vmul.f32 $1.442695020e+00, v0  }
0xb3: {  	(erf) = vpow2.f32 v1  }
0xb4: {  	(erf) = vpow2.f32 v0;
	_ =	sdelay $0x1  }
0xb5: {  	v0 =	vpop (erf)  }
0xb6: {  	v1 =	vpop (erf);
	[tilespmem:s11+$0xFFFFFFE0] =	vst v0  }
0xb7: {  	v0 =	vpop (erf);
	[tilespmem:s11+$0xFFFFFFF0] =	vst v1  }
0xb8: {  	[tilespmem:s11+$0x0] =	vst v0;
	v0 =	vpop (erf)  }
0xb9: {  	s10 =	smul.u32 $0x2800, s28;
	[tilespmem:s11+$0x30] =	vst v0;
	v0 =	vpop (erf)  }
0xba: {  	[tilespmem:s11+$0xFFFFFFC0] =	vst v0;
	v0 =	vpop (erf)  }
0xbb: {  	s14 =	sadd.s32 s5, s10;
	[tilespmem:s11+$0x20] =	vst v0;
	v0 =	vpop (erf)  }
0xbc: {  	p1 =	sne.s32 s28, $0x9;
	s14 =	sshrl.u32 s14, $0x3;
	[tilespmem:s11+$0xFFFFFFD0] =	vst v0;
	v0 =	vpop (erf)  }
0xbd: {  	s16 =	simm.s32 $0x2800;
	s15 =	sadd.s32 s8, s14;
	[tilespmem:s11+$0x10] =	vst v0;
	s11 =	simm.s32 @p1 $0x3  }
0xbe: {  	[hbm4b:s15+s4] =	stream.linear.scatter [tilespmem:s16], [sflag:$0x5], $0x1400, $0x38;
	[tilespmem:$0x1A728] =	vst v63  }
0xbf: {  	_ =	swait.ge @p1 [sflag:s11], $0x1400  }
0xc0: {  	[sflag:s11] =	ssyncset.done @p1 $0x0  }
0xc1: {  	[sflag:s11] =	ssyncadd.s32 @p1 $0xFFFFEC00;
	s11 =	simm.s32 @p1 $0x5  }
0xc2: {  	_ =	swait.ge @p1 [sflag:s11], $0x1400  }
0xc3: {  	s14 =	simm.s32 @p1 $0x0;
	[sflag:s11] =	ssyncset.done @p1 $0x0  }
0xc4: {  	s15 =	simm.s32 @p1 $0x2800;
	[sflag:s11] =	ssyncadd.s32 @p1 $0xFFFFEC00;
	s11 =	simm.s32 @p1 $0x200  }
0xc5: {  	[tilespmem:s15], [sflag:$0x1] =	stream.indirect.gather @p1 [spmem:s3], $0x1, s14, s11, $0xb8;
	[tilespmem:$0x1A728] =	vst v63  }
0xc6: {  	s15 =	simm.s32 @p1 $0x2A00  }
0xc7: {  	[tilespmem:s15], [sflag:$0x1] =	stream.indirect.gather @p1 [spmem:s3], $0x1, s11, s11, $0xb8;
	[tilespmem:$0x1A728] =	vst v63  }
0xc8: {  	s16 =	simm.s32 @p1 $0x2C00;
	s15 =	simm.s32 @p1 $0x400  }
0xc9: {  	[tilespmem:s16], [sflag:$0x1] =	stream.indirect.gather @p1 [spmem:s3], $0x1, s15, s11, $0xb8;
	[tilespmem:$0x1A728] =	vst v63  }
0xca: {  	s15 =	simm.s32 @p1 $0x600;
	s16 =	simm.s32 @p1 $0x2E00  }
0xcb: {  	[tilespmem:s16], [sflag:$0x1] =	stream.indirect.gather @p1 [spmem:s3], $0x1, s15, s11, $0xb8;
	[tilespmem:$0x1A728] =	vst v63  }
0xcc: {  	s15 =	simm.s32 @p1 $0x800;
	s16 =	simm.s32 @p1 $0x3000  }
0xcd: {  	[tilespmem:s16], [sflag:$0x1] =	stream.indirect.gather @p1 [spmem:s3], $0x1, s15, s11, $0xb8;
	[tilespmem:$0x1A728] =	vst v63  }
0xce: {  	s15 =	simm.s32 @p1 $0xA00;
	s16 =	simm.s32 @p1 $0x3200  }
0xcf: {  	[tilespmem:s16], [sflag:$0x1] =	stream.indirect.gather @p1 [spmem:s3], $0x1, s15, s11, $0xb8;
	[tilespmem:$0x1A728] =	vst v63  }
0xd0: {  	s15 =	simm.s32 @p1 $0xC00;
	s16 =	simm.s32 @p1 $0x3400  }
0xd1: {  	[tilespmem:s16], [sflag:$0x1] =	stream.indirect.gather @p1 [spmem:s3], $0x1, s15, s11, $0xb8;
	[tilespmem:$0x1A728] =	vst v63  }
0xd2: {  	s15 =	simm.s32 @p1 $0xE00;
	s16 =	simm.s32 @p1 $0x3600  }
0xd3: {  	[tilespmem:s16], [sflag:$0x1] =	stream.indirect.gather @p1 [spmem:s3], $0x1, s15, s11, $0xb8;
	[tilespmem:$0x1A728] =	vst v63  }
0xd4: {  	s15 =	simm.s32 @p1 $0x1000;
	s16 =	simm.s32 @p1 $0x3800  }
0xd5: {  	[tilespmem:s16], [sflag:$0x1] =	stream.indirect.gather @p1 [spmem:s3], $0x1, s15, s11, $0xb8;
	[tilespmem:$0x1A728] =	vst v63  }
0xd6: {  	s15 =	simm.s32 @p1 $0x1200;
	s16 =	simm.s32 @p1 $0x3A00  }
0xd7: {  	[tilespmem:s16], [sflag:$0x1] =	stream.indirect.gather @p1 [spmem:s3], $0x1, s15, s11, $0xb8;
	[tilespmem:$0x1A728] =	vst v63  }
0xd8: {  	s11 =	simm.s32 @p1 $0x2  }
0xd9: {  	s15 =	sadd.s32 @p1 s10, s13;
	_ =	swait.ge @p1 [sflag:s11], $0x1400  }
0xda: {  	s15 =	sshrl.u32 @p1 s15, $0x3;
	[sflag:s11] =	ssyncset.done @p1 $0x0  }
0xdb: {  	[sflag:s11] =	ssyncadd.s32 @p1 $0xFFFFEC00;
	s11 =	sadd.s32 @p1 s2, s15;
	s15 =	simm.s32 @p1 $0x1400  }
0xdc: {  	[tilespmem:s15], [sflag:$0x4] =	stream.linear.gather @p1 [hbm4b:s11+s14], $0x1400, $0x38;
	[tilespmem:$0x1A728] =	vst v63  }
0xdd: {  	s11 =	simm.s32 @!p1 $0x2  }
0xde: {  	_ =	swait.ge @!p1 [sflag:s11], $0x1400  }
0xdf: {  	[sflag:s11] =	ssyncset.done @!p1 $0x0  }
0xe0: {  	[sflag:s11] =	ssyncadd.s32 @!p1 $0xFFFFEC00  }
0xe1: {  	s11 =	simm.s32 $0x3C40;
	v0 =	vld [tilespmem:$0x5080]  }
0xe2: {  	v1 =	vld [tilespmem:s11+$0xFFFFFFE0];
	_ =	sdelay $0x1  }
0xe3: {  	v2 =	vld [tilespmem:s11+$0xFFFFFFF0];
	_ =	sdelay $0x2  }
0xe4: {  	v3 =	vld [tilespmem:s11+$0x0];
	v1 =	vsub.f32 v1, v0;
	_ =	sdelay $0x1  }
0xe5: {  	v2 =	vsub.f32 v2, v0;
	v1 =	vmul.f32 $6.931471820e-01, v1;
	_ =	sdelay $0x1  }
0xe6: {  	v4 =	vld [tilespmem:s11+$0x30];
	v2 =	vmul.f32 $6.931471820e-01, v2;
	v1 =	vmul.f32 $1.442695020e+00, v1  }
0xe7: {  	v5 =	vld [tilespmem:s11+$0xFFFFFFC0];
	v3 =	vsub.f32 v3, v0  }
0xe8: {  	(erf) = vpow2.f32 v1;
	v1 =	vmul.f32 $1.442695020e+00, v2  }
0xe9: {  	v6 =	vld [tilespmem:s11+$0x20];
	v3 =	vmul.f32 $6.931471820e-01, v3  }
0xea: {  	v7 =	vld [tilespmem:s11+$0xFFFFFFD0];
	(erf) = vpow2.f32 v1  }
0xeb: {  	v4 =	vsub.f32 v4, v0;
	v3 =	vmul.f32 $1.442695020e+00, v3  }
0xec: {  	v2 =	vsub.f32 v5, v0;
	v1 =	vld [tilespmem:s11+$0x10]  }
0xed: {  	v4 =	vmul.f32 $6.931471820e-01, v4;
	(erf) = vpow2.f32 v3  }
0xee: {  	v6 =	vsub.f32 v6, v0;
	v2 =	vmul.f32 $6.931471820e-01, v2  }
0xef: {  	v5 =	vsub.f32 v7, v0;
	v3 =	vmul.f32 $1.442695020e+00, v4  }
0xf0: {  	s14 =	simm.s32 $0x0;
	s15 =	simm.s32 $0x3CC0;
	v4 =	vmul.f32 $6.931471820e-01, v6;
	v2 =	vmul.f32 $1.442695020e+00, v2  }
.LBB2_5:
0xf1: {  	s14 =	sadd.s32 $0x8, s14;
	v7 =	vmul.f32 $6.931471820e-01, v5;
	v1 =	vsub.f32 v1, v0;
	v6 =	vpop (erf);
	(erf) = vpow2.f32 v3  }
0xf2: {  	p1 =	slt.u32 s14, $0x138;
	[tilespmem:s11+$0xFFFFFFE0] =	vst v6;
	v3 =	vmul.f32 $1.442695020e+00, v4;
	(erf) = vpow2.f32 v2  }
0xf3: {  	v2 =	vld [tilespmem:s15+$0xFFFFFFE0];
	v6 =	vmul.f32 $1.442695020e+00, v7;
	v1 =	vmul.f32 $6.931471820e-01, v1;
	v5 =	vpop (erf)  }
0xf4: {  	[tilespmem:s11+$0xFFFFFFF0] =	vst v5;
	(erf) = vpow2.f32 v3  }
0xf5: {  	v3 =	vld [tilespmem:s15+$0xFFFFFFF0];
	v1 =	vmul.f32 $1.442695020e+00, v1;
	(erf) = vpow2.f32 v6  }
0xf6: {  	v4 =	vpop (erf)  }
0xf7: {  	[tilespmem:s11+$0x0] =	vst v4;
	(erf) = vpow2.f32 v1  }
0xf8: {  	v1 =	vsub.f32 v2, v0;
	v2 =	vld [tilespmem:s15+$0x0];
	_ =	sdelay $0x1  }
0xf9: {  	v1 =	vmul.f32 $6.931471820e-01, v1;
	v3 =	vsub.f32 v3, v0;
	v4 =	vpop (erf)  }
0xfa: {  	[tilespmem:s11+$0x30] =	vst v4;
	v4 =	vpop (erf)  }
0xfb: {  	v7 =	vmul.f32 $1.442695020e+00, v1;
	v3 =	vmul.f32 $6.931471820e-01, v3;
	v5 =	vld [tilespmem:s15+$0x30];
	[tilespmem:s11+$0xFFFFFFC0] =	vst v4  }
0xfc: {  	v4 =	vld [tilespmem:s15+$0xFFFFFFC0];
	v2 =	vsub.f32 v2, v0;
	v6 =	vpop (erf)  }
0xfd: {  	v3 =	vmul.f32 $1.442695020e+00, v3;
	(erf) = vpow2.f32 v7;
	[tilespmem:s11+$0x20] =	vst v6;
	v1 =	vpop (erf)  }
0xfe: {  	v2 =	vmul.f32 $6.931471820e-01, v2;
	v6 =	vld [tilespmem:s15+$0x20];
	[tilespmem:s11+$0xFFFFFFD0] =	vst v1  }
0xff: {  	v7 =	vld [tilespmem:s15+$0xFFFFFFD0];
	(erf) = vpow2.f32 v3;
	v1 =	vpop (erf)  }
0x100: {  	v2 =	vmul.f32 $1.442695020e+00, v2;
	v3 =	vsub.f32 v5, v0;
	[tilespmem:s11+$0x10] =	vst v1;
	s11 =	smov.u32 s15  }
.Ltmp1:
0x101: {  	v4 =	vsub.f32 v4, v0;
	v1 =	vld [tilespmem:s15+$0x10];
	(pc) =	sbr.rel @p1 .LBB2_5-.Ltmp1, $4  }
0x102: {  	v3 =	vmul.f32 $6.931471820e-01, v3;
	(erf) = vpow2.f32 v2  }
0x103: {  	v2 =	vmul.f32 $6.931471820e-01, v4;
	v4 =	vsub.f32 v6, v0  }
0x104: {  	v5 =	vsub.f32 v7, v0;
	v3 =	vmul.f32 $1.442695020e+00, v3  }
0x105: {  	s15 =	sadd.s32 $0x80, s15;
	v2 =	vmul.f32 $1.442695020e+00, v2;
	v4 =	vmul.f32 $6.931471820e-01, v4  }
0x106: {  	v0 =	vsub.f32 v1, v0  }
0x107: {  	v54 =	vmul.f32 $6.931471820e-01, v5;
	(erf) = vpow2.f32 v3  }
0x108: {  	v55 =	vmul.f32 $1.442695020e+00, v4;
	v0 =	vmul.f32 $6.931471820e-01, v0  }
0x109: {  	(erf) = vpow2.f32 v2;
	v1 =	vmul.f32 $1.442695020e+00, v54  }
0x10a: {  	(erf) = vpow2.f32 v55;
	v0 =	vmul.f32 $1.442695020e+00, v0  }
0x10b: {  	(erf) = vpow2.f32 v1  }
0x10c: {  	(erf) = vpow2.f32 v0;
	_ =	sdelay $0x1  }
0x10d: {  	v56 =	vpop (erf)  }
0x10e: {  	[tilespmem:s11+$0xFFFFFFE0] =	vst v56;
	v57 =	vpop (erf)  }
0x10f: {  	[tilespmem:s11+$0xFFFFFFF0] =	vst v57;
	v58 =	vpop (erf)  }
0x110: {  	s28 =	sadd.s32 $0x1, s28;
	[tilespmem:s11+$0x0] =	vst v58;
	v59 =	vpop (erf)  }
0x111: {  	p1 =	sne.s32 s28, $0xA;
	[tilespmem:s11+$0x30] =	vst v59;
	v60 =	vpop (erf)  }
.Ltmp2:
0x112: {  	[tilespmem:s11+$0xFFFFFFC0] =	vst v60;
	v61 =	vpop (erf);
	(pc) =	sbr.rel @p1 .LBB2_2-.Ltmp2, $4  }
0x113: {  	s10 =	sadd.s32 s10, s9;
	[tilespmem:s11+$0x20] =	vst v61;
	v62 =	vpop (erf)  }
0x114: {  	s10 =	sshrl.u32 s10, $0x3;
	[tilespmem:s11+$0xFFFFFFD0] =	vst v62;
	v63 =	vpop (erf)  }
0x115: {  	s10 =	sadd.s32 s8, s10;
	[tilespmem:s11+$0x10] =	vst v63  }
0x116: {  	[hbm4b:s10+s4] =	stream.linear.scatter [tilespmem:s7], [sflag:$0x6], $0x1400, $0x38;
	[tilespmem:$0x1A728] =	vst v63  }
0x117: {  	s10 =	simm.s32 $0x5  }
0x118: {  	_ =	swait.ge [sflag:s10], $0x1400  }
0x119: {  	[sflag:s10] =	ssyncset.done $0x0  }
0x11a: {  	s11 =	simm.s32 $0x6;
	[sflag:s10] =	ssyncadd.s32 $0xFFFFEC00  }
0x11b: {  	_ =	swait.ge [sflag:s11], $0x1400  }
0x11c: {  	s14 =	rddreg [dreg:$0x13]  }
0x11d: {  	s28 =	rddreg [dreg:$0x8];
	s14 =	sadd.s32 $0x1, s14  }
0x11e: {  	p1 =	sne.s32 s14, s28  }
.Ltmp3:
0x11f: {  	_ = 	snop;
	(pc) =	sbr.rel @p1 .LBB2_1-.Ltmp3, $3  }
0x120: {  	_ =	sdelay $0x1  }
0x121: {  	[sflag:s11] =	ssyncset.done $0x0  }
0x122: {  	[sflag:s11] =	ssyncadd.s32 $0xFFFFEC00  }
0x123: {  	_ =	sfence.sel $0x180000  }
0x124: {  	[bflag:$0x0] =	sbarrier.arrive $0xFFFF  }
0x125: {  	_ =	strace $0x90000047  }
0x126: {  	s0 =	stileid.u32;
	[bflag:$0x2] =	sbarrier.arrive $0xFFFF  }
0x127: {  	p0 =	sne.s32 s0, $0x0;
	s0 =	rddreg [dreg:$0x3]  }
0x128: {  	s0 =	sadd.s32 @!p0 $0x100000, s0  }
0x129: {  	[sflag:s0] =	ssyncadd.tile.s32 @!p0 $0x1;
	_ =	shalt  }
.Lfunc_end2:
_tile_overlayer_lowered:
.L_overlay_start_2:
0x12a: {  	(tag) =	ssettag $0x2  }
0x12b: {  	s0 =	rddreg [dreg:$0x0];
	s2 =	stileid.u32  }
0x12c: {  	s1 =	rddreg [dreg:$0x1];
	p0 =	sne.s32 s2, $0x0  }
0x12d: {  	s3 =	rddreg [dreg:$0x2];
	[bflag:$0x3] =	sbarrier.arrive $0xFFFF;
	s2 =	simm.s32 @!p0 $0x1C07  }
0x12e: {  	[timem:s3], [sflag:s2] =	dma.local @!p0 [hbm:s0], s1  }
0x12f: {  	s0 =	simm.s32 @!p0 $0x7  }
0x130: {  	_ =	swait.ge @!p0 [sflag:s0], s1  }
0x131: {  	s1 =	ssub.s32 @!p0 $0x0, s1;
	[sflag:s0] =	ssyncset.done @!p0 $0x0  }
0x132: {  	[sflag:s0] =	ssyncadd.s32 @!p0 s1  }
0x133: {  	[bflag:$0x3] =	sbarrier.arrive $0xFFFF  }
0x134: {  	_ =	shalt  }

</sc_bundles>
